<compile_context>
chip_gen: v7x
topology: tpu7x:2x2x1
jax: 0.10.2.dev20260603
libtpu: 0.0.44.dev20260713+nightly
codegen_flags: <defaults>
</compile_context>

<pallas_src>
import functools

import jax
import jax.numpy as jnp
from jax import lax
from jax.experimental import pallas as pl
from jax.experimental.pallas import tpu as pltpu
from jax.experimental.pallas import tpu_sc as plsc

def _i0(_=None):
    return jnp.int32(0)


E = 320000
N_NODES = 10000
D = 128
R = 16
H = 256

_BE = 2560
_GRID_A = E // _BE


def _dot3(a, b):
    ah = a.astype(jnp.bfloat16)
    al = (a - ah.astype(jnp.float32)).astype(jnp.bfloat16)
    bh = b.astype(jnp.bfloat16)
    bl = (b - bh.astype(jnp.float32)).astype(jnp.bfloat16)
    d = lambda x, y: jnp.dot(x, y, preferred_element_type=jnp.float32)
    return d(ah, bh) + (d(ah, bl) + d(al, bh))


def _edge_body(msg_ref, rbf_ref, w_ref, out_ref):
    t = _dot3(rbf_ref[...], w_ref[...])
    out_ref[...] = msg_ref[...] * t


def _edge_stage(messages, rbf, W_rbf):
    return pl.pallas_call(
        _edge_body,
        name="edge_stage",
        grid=(_GRID_A,),
        in_specs=[
            pl.BlockSpec((_BE, D), lambda i: (i, _i0())),
            pl.BlockSpec((_BE, R), lambda i: (i, _i0())),
            pl.BlockSpec((R, D), lambda i: (_i0(), _i0())),
        ],
        out_specs=pl.BlockSpec((_BE, D), lambda i: (i, _i0())),
        out_shape=jax.ShapeDtypeStruct((E, D), jnp.float32),
    )(messages, rbf, W_rbf)


_NC = 2
_NS = 16
_NW = _NC * _NS
_EPW = E // _NW
_CH = 80
_SCH = 80
_KSC = _SCH // _CH
_NSC = _EPW // _SCH
_NBUF = 3
_NPT = (N_NODES // _NS) // 8 * 8
_TAIL0 = _NS * _NPT
_TAIL = N_NODES - _TAIL0


def _sc_body(m_hbm, idx_hbm, zero_hbm, out_hbm, rows_v, idx_v, acc_sh,
             sem_r, sem_i, sem_s):
    cid = lax.axis_index("c")
    sid = lax.axis_index("s")
    base = (cid * jnp.int32(_NS) + sid) * jnp.int32(_EPW)
    row0 = sid * jnp.int32(_NPT)

    def issue(t, b):
        start = base + t * jnp.int32(_SCH)
        pltpu.async_copy(m_hbm.at[pl.ds(start, _SCH)], rows_v.at[b], sem_r)
        pltpu.async_copy(idx_hbm.at[pl.ds(start, _CH)], idx_v.at[b, jnp.int32(0)],
                         sem_i)

    def wait_in(t, b):
        start = base + t * jnp.int32(_SCH)
        pltpu.make_async_copy(m_hbm.at[pl.ds(start, _SCH)], rows_v.at[b],
                              sem_r).wait()
        pltpu.make_async_copy(idx_hbm.at[pl.ds(start, _CH)],
                              idx_v.at[b, jnp.int32(0)], sem_i).wait()

    def wait_scatter(b):
        pltpu.make_async_copy(rows_v.at[b],
                              acc_sh.at[idx_v.at[b, jnp.int32(0)]],
                              sem_s).wait()

    issue(jnp.int32(0), jnp.int32(0))
    pltpu.sync_copy(zero_hbm.at[pl.ds(row0, _NPT)], acc_sh.at[pl.ds(row0, _NPT)])

    @pl.when(sid == 0)
    def _():
        pltpu.sync_copy(zero_hbm.at[pl.ds(_TAIL0, _TAIL)],
                        acc_sh.at[pl.ds(_TAIL0, _TAIL)])

    plsc.subcore_barrier()
    issue(jnp.int32(1), jnp.int32(1))

    @pl.loop(jnp.int32(0), jnp.int32(_NSC))
    def _(t):
        b = lax.rem(t, jnp.int32(_NBUF))
        wait_in(t, b)
        pltpu.async_copy(rows_v.at[b], acc_sh.at[idx_v.at[b, jnp.int32(0)]],
                         sem_s, add=True)

        @pl.when(t + jnp.int32(2) < jnp.int32(_NSC))
        def _():
            nb = lax.rem(t + jnp.int32(2), jnp.int32(_NBUF))

            @pl.when(t >= jnp.int32(1))
            def _():
                wait_scatter(nb)

            issue(t + jnp.int32(2), nb)

    for tt in (_NSC - 3, _NSC - 2, _NSC - 1):
        wait_scatter(jnp.int32(tt % _NBUF))
    plsc.subcore_barrier()
    pltpu.sync_copy(acc_sh.at[pl.ds(row0, _NPT)],
                    out_hbm.at[cid, pl.ds(row0, _NPT)])

    @pl.when(sid == 0)
    def _():
        pltpu.sync_copy(acc_sh.at[pl.ds(_TAIL0, _TAIL)],
                        out_hbm.at[cid, pl.ds(_TAIL0, _TAIL)])


def _sc_segment(m, idx32, zeros):
    mesh = plsc.VectorSubcoreMesh(core_axis_name="c", subcore_axis_name="s")
    run = functools.partial(
        pl.kernel,
        mesh=mesh,
        out_type=jax.ShapeDtypeStruct((_NC, N_NODES, D), jnp.float32),
        scratch_types=[
            pltpu.VMEM((_NBUF, _SCH, D), jnp.float32),
            pltpu.VMEM((_NBUF, _KSC, _CH), jnp.int32),
            pltpu.VMEM_SHARED((N_NODES, D), jnp.float32),
            pltpu.SemaphoreType.DMA,
            pltpu.SemaphoreType.DMA,
            pltpu.SemaphoreType.DMA,
        ],
    )(_sc_body)
    return run(m, idx32, zeros)


_BN = 1000
_GRID_C = N_NODES // _BN


def _mlp_body(part_ref, wup_ref, w0_ref, b0_ref, w1_ref, b1_ref,
              w2_ref, b2_ref, wf_ref, out_ref):
    s = part_ref[0] + part_ref[1]
    up = _dot3(s, wup_ref[...])
    for w, b in ((w0_ref, b0_ref), (w1_ref, b1_ref), (w2_ref, b2_ref)):
        up = _dot3(up, w[...]) + b[...]
        up = up * jax.nn.sigmoid(up)
    out_ref[...] = _dot3(up, wf_ref[...])


def _mlp_stage(partials, W_up, W_d0, b_d0, W_d1, b_d1, W_d2, b_d2, W_final):
    wspec = lambda shape: pl.BlockSpec(shape, lambda i: (_i0(),) * len(shape))
    return pl.pallas_call(
        _mlp_body,
        name="mlp_stage",
        grid=(_GRID_C,),
        in_specs=[
            pl.BlockSpec((_NC, _BN, D), lambda i: (_i0(), i, _i0())),
            wspec((D, H)),
            wspec((H, H)), wspec((1, H)),
            wspec((H, H)), wspec((1, H)),
            wspec((H, H)), wspec((1, H)),
            wspec((H, 1)),
        ],
        out_specs=pl.BlockSpec((_BN, 1), lambda i: (i, _i0())),
        out_shape=jax.ShapeDtypeStruct((N_NODES, 1), jnp.float32),
    )(partials, W_up, W_d0, b_d0, W_d1, b_d1, W_d2, b_d2, W_final)


def kernel(messages, rbf, idx_i, n_particles, W_rbf, W_up,
           W_d0, b_d0, W_d1, b_d1, W_d2, b_d2, W_final):
    del n_particles
    out_dtype = jnp.result_type(jnp.float32, W_up.dtype)
    f32 = lambda x: x.astype(jnp.float32)
    idx32 = idx_i.astype(jnp.int32)
    m = _edge_stage(f32(messages), f32(rbf), f32(W_rbf))
    zeros = jnp.zeros((N_NODES, D), jnp.float32)
    partials = _sc_segment(m, idx32, zeros)
    out = _mlp_stage(partials, f32(W_up), f32(W_d0), f32(b_d0).reshape(1, H),
                     f32(W_d1), f32(b_d1).reshape(1, H),
                     f32(W_d2), f32(b_d2).reshape(1, H), f32(W_final))
    return out.astype(out_dtype)

# --- scband reference (transcript-rebuilt; emitter-appended) ---
"""Pipeline reference for scband-output-block-42004780155368 (READ-ONLY COPY).

The authoritative reference and input builder live on the scoring server;
editing this copy changes nothing except your own understanding.
"""

import jax, jax.numpy as jnp
import numpy as np

jax.config.update("jax_enable_x64", True)

E = 320000
N = 10000
D = 128      # embed_size
R = 16       # rbf dim
OUT = 256    # out_embed_size = 2 * embed_size
T = 1        # num_targets


def setup_inputs(seed: int = 0) -> dict:
    key = jax.random.key(seed)
    ks = jax.random.split(key, 12)
    inp = {}
    inp["messages"] = jax.random.normal(ks[0], (E, D), dtype=jnp.float32)
    inp["rbf"] = jax.random.normal(ks[1], (E, R), dtype=jnp.float32)
    inp["idx_i"] = jnp.sort(jax.random.randint(ks[2], (E,), 0, N, dtype=jnp.int64))
    inp["n_particles"] = N
    # Learned parameters
    inp["W_rbf"] = jax.random.normal(ks[3], (R, D), dtype=jnp.float32) / np.sqrt(R)
    inp["W_up"] = jax.random.normal(ks[4], (D, OUT), dtype=jnp.float32) / np.sqrt(D)
    inp["W_d0"] = jax.random.normal(ks[5], (OUT, OUT), dtype=jnp.float32) / np.sqrt(OUT)
    inp["b_d0"] = jnp.zeros((OUT,), dtype=jnp.float32)
    inp["W_d1"] = jax.random.normal(ks[6], (OUT, OUT), dtype=jnp.float32) / np.sqrt(OUT)
    inp["b_d1"] = jnp.zeros((OUT,), dtype=jnp.float32)
    inp["W_d2"] = jax.random.normal(ks[7], (OUT, OUT), dtype=jnp.float32) / np.sqrt(OUT)
    inp["b_d2"] = jnp.zeros((OUT,), dtype=jnp.float32)
    inp["W_final"] = jax.random.normal(ks[8], (OUT, T), dtype=jnp.float32) / np.sqrt(OUT)
    return inp


def high_precision_segment_sum(data, segment_ids, num_segments, static_num_segments):
    data64 = data.astype(jnp.float64)
    seg = jax.ops.segment_sum(data64, segment_ids, num_segments=static_num_segments)
    valid = (jnp.arange(static_num_segments) < num_segments)[:, None]
    seg = jnp.where(valid, seg, jnp.zeros_like(seg))
    return seg.astype(jnp.float32)


def reference(messages, rbf, idx_i, n_particles, W_rbf, W_up, W_d0, b_d0, W_d1, b_d1, W_d2, b_d2, W_final):
    transformed_rbf = rbf @ W_rbf                       # RBF_Dense (no bias)
    m = messages * transformed_rbf
    summed = high_precision_segment_sum(m, idx_i, n_particles, N)
    up = summed @ W_up                                  # Upprojection (no bias)
    for W, b in ((W_d0, b_d0), (W_d1, b_d1), (W_d2, b_d2)):
        up = jax.nn.swish(up @ W + b)                   # Dense_Series + swish
    per_atom_targets = up @ W_final                     # Final_output (no bias)
    return per_atom_targets

if __name__ == "__main__":
    import jax
    _d = setup_inputs()
    print(jax.jit(kernel)(*tuple(_d.values())))

</pallas_src>

<mosaic_0001>
#map = affine_map<(d0, d1) -> (0, 0)>
#map1 = affine_map<(d0, d1) -> (0)>
#map2 = affine_map<(d0, d1) -> (0, 0, 0)>
module attributes {stable_mosaic.version = 14 : i64} {
  func.func @_sc_body(%arg0: i32, %arg1: i32, %arg2: memref<320000x128xf32, #tpu.memory_space<hbm>>, %arg3: memref<320000xi32, #tpu.memory_space<hbm>>, %arg4: memref<10000x128xf32, #tpu.memory_space<hbm>>, %arg5: memref<2x10000x128xf32, #tpu.memory_space<hbm>>, %arg6: memref<3x80x128xf32, #tpu.memory_space<vmem>>, %arg7: memref<3x1x80xi32, #tpu.memory_space<vmem>>, %arg8: memref<10000x128xf32, #tpu.memory_space<vmem_shared>>, %arg9: memref<!tpu.dma_semaphore, #tpu.memory_space<semaphore_mem>>, %arg10: memref<!tpu.dma_semaphore, #tpu.memory_space<semaphore_mem>>, %arg11: memref<!tpu.dma_semaphore, #tpu.memory_space<semaphore_mem>>) attributes {dimension_semantics = [#tpu.dimension_semantics<core_parallel>, #tpu.dimension_semantics<subcore_parallel>], iteration_bounds = array<i64: 2, 16>, scalar_prefetch = 0 : i64, scratch_operands = 6 : i64, tpu.core_type = #tpu.core_type<sc_vector_subcore>, window_params = [{transform_indices = #map}, {transform_indices = #map1}, {transform_indices = #map}, {transform_indices = #map2}]} {
    %mul3A = arith.constant 16 : i32
    %mul3A_0 = arith.muli %arg0, %mul3A : i32
    %add3A = arith.addi %mul3A_0, %arg1 : i32
    %mul3A_1 = arith.constant 10000 : i32
    %mul3A_2 = arith.muli %add3A, %mul3A_1 : i32
    %mul3A_3 = arith.constant 624 : i32
    %mul3A_4 = arith.muli %arg1, %mul3A_3 : i32
    %mul3A_5 = arith.constant 0 : i32
    %mul3A_6 = arith.constant 80 : i32
    %mul3A_7 = arith.muli %mul3A_5, %mul3A_6 : i32
    %add3A_8 = arith.addi %mul3A_2, %mul3A_7 : i32
    %dma_start3A = arith.constant 0 : i32
    %dma_start3A_9 = arith.constant 0 : i32
    %dma_start3A_10 = arith.constant 0 : i32
    %dma_start3A_11 = tpu.memref_slice %arg6[%dma_start3A, %dma_start3A_9, %dma_start3A_10] : memref<3x80x128xf32, #tpu.memory_space<vmem>> -> memref<1x80x128xf32, #tpu.memory_space<vmem>>
    %dma_start3A_12 = tpu.memref_squeeze %dma_start3A_11 : memref<1x80x128xf32, #tpu.memory_space<vmem>> -> memref<80x128xf32, #tpu.memory_space<vmem>>
    %dma_start3A_13 = arith.constant 0 : i32
    %dma_start3A_14 = tpu.memref_slice %arg2[%add3A_8, %dma_start3A_13] : memref<320000x128xf32, #tpu.memory_space<hbm>> -> memref<80x128xf32, #tpu.memory_space<hbm>>
    %dma_start3A_15 = arith.constant 0 : i32
    %dma_start3A_16 = arith.constant 0 : i32
    %dma_start3A_17 = tpu.memref_slice %arg6[%dma_start3A, %dma_start3A_15, %dma_start3A_16] : memref<3x80x128xf32, #tpu.memory_space<vmem>> -> memref<1x80x128xf32, #tpu.memory_space<vmem>>
    %dma_start3A_18 = tpu.memref_squeeze %dma_start3A_17 : memref<1x80x128xf32, #tpu.memory_space<vmem>> -> memref<80x128xf32, #tpu.memory_space<vmem>>
    %dma_start3A_19 = arith.constant 0 : i32
    %dma_start3A_20 = tpu.memref_slice %arg2[%add3A_8, %dma_start3A_19] : memref<320000x128xf32, #tpu.memory_space<hbm>> -> memref<80x128xf32, #tpu.memory_space<hbm>>
    tpu.enqueue_dma source(%dma_start3A_20 : memref<80x128xf32, #tpu.memory_space<hbm>>) target(%dma_start3A_18 : memref<80x128xf32, #tpu.memory_space<vmem>>) target_semaphore(%arg9 : memref<!tpu.dma_semaphore, #tpu.memory_space<semaphore_mem>>)
    %dma_start3A_21 = arith.constant 0 : i32
    %dma_start3A_22 = arith.constant 0 : i32
    %dma_start3A_23 = arith.constant 0 : i32
    %dma_start3A_24 = tpu.memref_slice %arg7[%dma_start3A_21, %dma_start3A_22, %dma_start3A_23] : memref<3x1x80xi32, #tpu.memory_space<vmem>> -> memref<1x1x80xi32, #tpu.memory_space<vmem>>
    %dma_start3A_25 = tpu.memref_squeeze %dma_start3A_24 : memref<1x1x80xi32, #tpu.memory_space<vmem>> -> memref<80xi32, #tpu.memory_space<vmem>>
    %dma_start3A_26 = tpu.memref_slice %arg3[%add3A_8] : memref<320000xi32, #tpu.memory_space<hbm>> -> memref<80xi32, #tpu.memory_space<hbm>>
    %dma_start3A_27 = arith.constant 0 : i32
    %dma_start3A_28 = tpu.memref_slice %arg7[%dma_start3A_21, %dma_start3A_22, %dma_start3A_27] : memref<3x1x80xi32, #tpu.memory_space<vmem>> -> memref<1x1x80xi32, #tpu.memory_space<vmem>>
    %dma_start3A_29 = tpu.memref_squeeze %dma_start3A_28 : memref<1x1x80xi32, #tpu.memory_space<vmem>> -> memref<80xi32, #tpu.memory_space<vmem>>
    %dma_start3A_30 = tpu.memref_slice %arg3[%add3A_8] : memref<320000xi32, #tpu.memory_space<hbm>> -> memref<80xi32, #tpu.memory_space<hbm>>
    tpu.enqueue_dma source(%dma_start3A_30 : memref<80xi32, #tpu.memory_space<hbm>>) target(%dma_start3A_29 : memref<80xi32, #tpu.memory_space<vmem>>) target_semaphore(%arg10 : memref<!tpu.dma_semaphore, #tpu.memory_space<semaphore_mem>>)
    "tpu.region"() ({
      %run_scoped3A = tpu.sem_alloc : memref<!tpu.dma_semaphore, #tpu.memory_space<semaphore_mem>>
      %dma_start3A_121 = arith.constant 0 : i32
      %dma_start3A_122 = tpu.memref_slice %arg8[%mul3A_4, %dma_start3A_121] : memref<10000x128xf32, #tpu.memory_space<vmem_shared>> -> memref<624x128xf32, #tpu.memory_space<vmem_shared>>
      %dma_start3A_123 = arith.constant 0 : i32
      %dma_start3A_124 = tpu.memref_slice %arg4[%mul3A_4, %dma_start3A_123] : memref<10000x128xf32, #tpu.memory_space<hbm>> -> memref<624x128xf32, #tpu.memory_space<hbm>>
      tpu.enqueue_dma source(%dma_start3A_124 : memref<624x128xf32, #tpu.memory_space<hbm>>) target(%dma_start3A_122 : memref<624x128xf32, #tpu.memory_space<vmem_shared>>) target_semaphore(%run_scoped3A : memref<!tpu.dma_semaphore, #tpu.memory_space<semaphore_mem>>)
      %dma_wait3A_125 = arith.constant 0 : i32
      %dma_wait3A_126 = tpu.memref_slice %arg8[%mul3A_4, %dma_wait3A_125] : memref<10000x128xf32, #tpu.memory_space<vmem_shared>> -> memref<624x128xf32, #tpu.memory_space<vmem_shared>>
      %dma_wait3A_127 = arith.constant 0 : i32
      %dma_wait3A_128 = tpu.memref_slice %arg4[%mul3A_4, %dma_wait3A_127] : memref<10000x128xf32, #tpu.memory_space<hbm>> -> memref<624x128xf32, #tpu.memory_space<hbm>>
      tpu.wait_dma2 semaphore(%run_scoped3A : memref<!tpu.dma_semaphore, #tpu.memory_space<semaphore_mem>>) src(%dma_wait3A_128 : memref<624x128xf32, #tpu.memory_space<hbm>>) dst(%dma_wait3A_126 : memref<624x128xf32, #tpu.memory_space<vmem_shared>>)
      tpu.yield
    }) : () -> ()
    %eq3A = arith.constant 0 : i32
    %eq3A_31 = arith.cmpi eq, %arg1, %eq3A : i32
    %convert_element_type3A = arith.extui %eq3A_31 : i1 to i32
    %cond3A = arith.constant 0 : i32
    %cond3A_32 = arith.cmpi ne, %convert_element_type3A, %cond3A : i32
    scf.if %cond3A_32 {
      "tpu.region"() ({
        %run_scoped3A = tpu.sem_alloc : memref<!tpu.dma_semaphore, #tpu.memory_space<semaphore_mem>>
        %dma_start3A_121 = arith.constant 9984 : i32
        %dma_start3A_122 = arith.constant 0 : i32
        %dma_start3A_123 = tpu.memref_slice %arg8[%dma_start3A_121, %dma_start3A_122] : memref<10000x128xf32, #tpu.memory_space<vmem_shared>> -> memref<16x128xf32, #tpu.memory_space<vmem_shared>>
        %dma_start3A_124 = arith.constant 9984 : i32
        %dma_start3A_125 = arith.constant 0 : i32
        %dma_start3A_126 = tpu.memref_slice %arg4[%dma_start3A_124, %dma_start3A_125] : memref<10000x128xf32, #tpu.memory_space<hbm>> -> memref<16x128xf32, #tpu.memory_space<hbm>>
        tpu.enqueue_dma source(%dma_start3A_126 : memref<16x128xf32, #tpu.memory_space<hbm>>) target(%dma_start3A_123 : memref<16x128xf32, #tpu.memory_space<vmem_shared>>) target_semaphore(%run_scoped3A : memref<!tpu.dma_semaphore, #tpu.memory_space<semaphore_mem>>)
        %dma_wait3A_127 = arith.constant 9984 : i32
        %dma_wait3A_128 = arith.constant 0 : i32
        %dma_wait3A_129 = tpu.memref_slice %arg8[%dma_wait3A_127, %dma_wait3A_128] : memref<10000x128xf32, #tpu.memory_space<vmem_shared>> -> memref<16x128xf32, #tpu.memory_space<vmem_shared>>
        %dma_wait3A_130 = arith.constant 9984 : i32
        %dma_wait3A_131 = arith.constant 0 : i32
        %dma_wait3A_132 = tpu.memref_slice %arg4[%dma_wait3A_130, %dma_wait3A_131] : memref<10000x128xf32, #tpu.memory_space<hbm>> -> memref<16x128xf32, #tpu.memory_space<hbm>>
        tpu.wait_dma2 semaphore(%run_scoped3A : memref<!tpu.dma_semaphore, #tpu.memory_space<semaphore_mem>>) src(%dma_wait3A_132 : memref<16x128xf32, #tpu.memory_space<hbm>>) dst(%dma_wait3A_129 : memref<16x128xf32, #tpu.memory_space<vmem_shared>>)
        tpu.yield
      }) : () -> ()
    } else {
    }
    %barrier3A = arith.constant 0 : index
    tpu.barrier barrier_id(%barrier3A)
    %mul3A_33 = arith.constant 1 : i32
    %mul3A_34 = arith.constant 80 : i32
    %mul3A_35 = arith.muli %mul3A_33, %mul3A_34 : i32
    %add3A_36 = arith.addi %mul3A_2, %mul3A_35 : i32
    %dma_start3A_37 = arith.constant 1 : i32
    %dma_start3A_38 = arith.constant 0 : i32
    %dma_start3A_39 = arith.constant 0 : i32
    %dma_start3A_40 = tpu.memref_slice %arg6[%dma_start3A_37, %dma_start3A_38, %dma_start3A_39] : memref<3x80x128xf32, #tpu.memory_space<vmem>> -> memref<1x80x128xf32, #tpu.memory_space<vmem>>
    %dma_start3A_41 = tpu.memref_squeeze %dma_start3A_40 : memref<1x80x128xf32, #tpu.memory_space<vmem>> -> memref<80x128xf32, #tpu.memory_space<vmem>>
    %dma_start3A_42 = arith.constant 0 : i32
    %dma_start3A_43 = tpu.memref_slice %arg2[%add3A_36, %dma_start3A_42] : memref<320000x128xf32, #tpu.memory_space<hbm>> -> memref<80x128xf32, #tpu.memory_space<hbm>>
    %dma_start3A_44 = arith.constant 0 : i32
    %dma_start3A_45 = arith.constant 0 : i32
    %dma_start3A_46 = tpu.memref_slice %arg6[%dma_start3A_37, %dma_start3A_44, %dma_start3A_45] : memref<3x80x128xf32, #tpu.memory_space<vmem>> -> memref<1x80x128xf32, #tpu.memory_space<vmem>>
    %dma_start3A_47 = tpu.memref_squeeze %dma_start3A_46 : memref<1x80x128xf32, #tpu.memory_space<vmem>> -> memref<80x128xf32, #tpu.memory_space<vmem>>
    %dma_start3A_48 = arith.constant 0 : i32
    %dma_start3A_49 = tpu.memref_slice %arg2[%add3A_36, %dma_start3A_48] : memref<320000x128xf32, #tpu.memory_space<hbm>> -> memref<80x128xf32, #tpu.memory_space<hbm>>
    tpu.enqueue_dma source(%dma_start3A_49 : memref<80x128xf32, #tpu.memory_space<hbm>>) target(%dma_start3A_47 : memref<80x128xf32, #tpu.memory_space<vmem>>) target_semaphore(%arg9 : memref<!tpu.dma_semaphore, #tpu.memory_space<semaphore_mem>>)
    %dma_start3A_50 = arith.constant 1 : i32
    %dma_start3A_51 = arith.constant 0 : i32
    %dma_start3A_52 = arith.constant 0 : i32
    %dma_start3A_53 = tpu.memref_slice %arg7[%dma_start3A_50, %dma_start3A_51, %dma_start3A_52] : memref<3x1x80xi32, #tpu.memory_space<vmem>> -> memref<1x1x80xi32, #tpu.memory_space<vmem>>
    %dma_start3A_54 = tpu.memref_squeeze %dma_start3A_53 : memref<1x1x80xi32, #tpu.memory_space<vmem>> -> memref<80xi32, #tpu.memory_space<vmem>>
    %dma_start3A_55 = tpu.memref_slice %arg3[%add3A_36] : memref<320000xi32, #tpu.memory_space<hbm>> -> memref<80xi32, #tpu.memory_space<hbm>>
    %dma_start3A_56 = arith.constant 0 : i32
    %dma_start3A_57 = tpu.memref_slice %arg7[%dma_start3A_50, %dma_start3A_51, %dma_start3A_56] : memref<3x1x80xi32, #tpu.memory_space<vmem>> -> memref<1x1x80xi32, #tpu.memory_space<vmem>>
    %dma_start3A_58 = tpu.memref_squeeze %dma_start3A_57 : memref<1x1x80xi32, #tpu.memory_space<vmem>> -> memref<80xi32, #tpu.memory_space<vmem>>
    %dma_start3A_59 = tpu.memref_slice %arg3[%add3A_36] : memref<320000xi32, #tpu.memory_space<hbm>> -> memref<80xi32, #tpu.memory_space<hbm>>
    tpu.enqueue_dma source(%dma_start3A_59 : memref<80xi32, #tpu.memory_space<hbm>>) target(%dma_start3A_58 : memref<80xi32, #tpu.memory_space<vmem>>) target_semaphore(%arg10 : memref<!tpu.dma_semaphore, #tpu.memory_space<semaphore_mem>>)
    %sub3A = arith.constant 125 : i32
    %sub3A_60 = arith.constant 0 : i32
    %sub3A_61 = arith.subi %sub3A, %sub3A_60 : i32
    %sub3A_62 = arith.constant 1 : i32
    %sub3A_63 = arith.constant 1 : i32
    %sub3A_64 = arith.subi %sub3A_62, %sub3A_63 : i32
    %add3A_65 = arith.addi %sub3A_61, %sub3A_64 : i32
    %div3A = arith.constant 1 : i32
    %div3A_66 = arith.divsi %add3A_65, %div3A : i32
    %while3A = arith.constant 1 : i32
    %while3A_67 = arith.constant 0 : i32
    %while3A_68 = arith.constant 0 : i32
    %while3A_69 = arith.subi %div3A_66, %while3A_68 : i32
    %while3A_70 = arith.addi %while3A_68, %while3A_69 : i32
    %while3A_71 = arith.constant 1 : i32
    %while3A_72 = arith.divsi %while3A_69, %while3A_71 : i32
    %while3A_73 = arith.muli %while3A_72, %while3A_71 : i32
    %while3A_74 = arith.addi %while3A_68, %while3A_73 : i32
    %while3A_75 = arith.constant 1 : i32
    scf.for %while3A_121 = %while3A_68 to %while3A_74 step %while3A_75  : i32 {
      %mul3A_122 = arith.muli %while3A_121, %while3A : i32
      %add3A_123 = arith.addi %while3A_67, %mul3A_122 : i32
      %rem3A = arith.constant 3 : i32
      %rem3A_124 = arith.remsi %add3A_123, %rem3A : i32
      %mul3A_125 = arith.constant 80 : i32
      %mul3A_126 = arith.muli %add3A_123, %mul3A_125 : i32
      %add3A_127 = arith.addi %mul3A_2, %mul3A_126 : i32
      %dma_wait3A_128 = arith.constant 0 : i32
      %dma_wait3A_129 = arith.constant 0 : i32
      %dma_wait3A_130 = tpu.memref_slice %arg6[%rem3A_124, %dma_wait3A_128, %dma_wait3A_129] : memref<3x80x128xf32, #tpu.memory_space<vmem>> -> memref<1x80x128xf32, #tpu.memory_space<vmem>>
      %dma_wait3A_131 = tpu.memref_squeeze %dma_wait3A_130 : memref<1x80x128xf32, #tpu.memory_space<vmem>> -> memref<80x128xf32, #tpu.memory_space<vmem>>
      %dma_wait3A_132 = arith.constant 0 : i32
      %dma_wait3A_133 = tpu.memref_slice %arg2[%add3A_127, %dma_wait3A_132] : memref<320000x128xf32, #tpu.memory_space<hbm>> -> memref<80x128xf32, #tpu.memory_space<hbm>>
      %dma_wait3A_134 = arith.constant 0 : i32
      %dma_wait3A_135 = arith.constant 0 : i32
      %dma_wait3A_136 = tpu.memref_slice %arg6[%rem3A_124, %dma_wait3A_134, %dma_wait3A_135] : memref<3x80x128xf32, #tpu.memory_space<vmem>> -> memref<1x80x128xf32, #tpu.memory_space<vmem>>
      %dma_wait3A_137 = tpu.memref_squeeze %dma_wait3A_136 : memref<1x80x128xf32, #tpu.memory_space<vmem>> -> memref<80x128xf32, #tpu.memory_space<vmem>>
      %dma_wait3A_138 = arith.constant 0 : i32
      %dma_wait3A_139 = tpu.memref_slice %arg2[%add3A_127, %dma_wait3A_138] : memref<320000x128xf32, #tpu.memory_space<hbm>> -> memref<80x128xf32, #tpu.memory_space<hbm>>
      tpu.wait_dma2 semaphore(%arg9 : memref<!tpu.dma_semaphore, #tpu.memory_space<semaphore_mem>>) src(%dma_wait3A_139 : memref<80x128xf32, #tpu.memory_space<hbm>>) dst(%dma_wait3A_137 : memref<80x128xf32, #tpu.memory_space<vmem>>)
      %dma_wait3A_140 = arith.constant 0 : i32
      %dma_wait3A_141 = arith.constant 0 : i32
      %dma_wait3A_142 = tpu.memref_slice %arg7[%rem3A_124, %dma_wait3A_140, %dma_wait3A_141] : memref<3x1x80xi32, #tpu.memory_space<vmem>> -> memref<1x1x80xi32, #tpu.memory_space<vmem>>
      %dma_wait3A_143 = tpu.memref_squeeze %dma_wait3A_142 : memref<1x1x80xi32, #tpu.memory_space<vmem>> -> memref<80xi32, #tpu.memory_space<vmem>>
      %dma_wait3A_144 = tpu.memref_slice %arg3[%add3A_127] : memref<320000xi32, #tpu.memory_space<hbm>> -> memref<80xi32, #tpu.memory_space<hbm>>
      %dma_wait3A_145 = arith.constant 0 : i32
      %dma_wait3A_146 = tpu.memref_slice %arg7[%rem3A_124, %dma_wait3A_140, %dma_wait3A_145] : memref<3x1x80xi32, #tpu.memory_space<vmem>> -> memref<1x1x80xi32, #tpu.memory_space<vmem>>
      %dma_wait3A_147 = tpu.memref_squeeze %dma_wait3A_146 : memref<1x1x80xi32, #tpu.memory_space<vmem>> -> memref<80xi32, #tpu.memory_space<vmem>>
      %dma_wait3A_148 = tpu.memref_slice %arg3[%add3A_127] : memref<320000xi32, #tpu.memory_space<hbm>> -> memref<80xi32, #tpu.memory_space<hbm>>
      tpu.wait_dma2 semaphore(%arg10 : memref<!tpu.dma_semaphore, #tpu.memory_space<semaphore_mem>>) src(%dma_wait3A_148 : memref<80xi32, #tpu.memory_space<hbm>>) dst(%dma_wait3A_147 : memref<80xi32, #tpu.memory_space<vmem>>)
      %dma_start3A_149 = arith.constant 0 : i32
      %dma_start3A_150 = arith.constant 0 : i32
      %dma_start3A_151 = arith.constant 0 : i32
      %dma_start3A_152 = tpu.memref_slice %arg6[%rem3A_124, %dma_start3A_150, %dma_start3A_151] : memref<3x80x128xf32, #tpu.memory_space<vmem>> -> memref<1x80x128xf32, #tpu.memory_space<vmem>>
      %dma_start3A_153 = tpu.memref_squeeze %dma_start3A_152 : memref<1x80x128xf32, #tpu.memory_space<vmem>> -> memref<80x128xf32, #tpu.memory_space<vmem>>
      %dma_start3A_154 = arith.constant 0 : i32
      %dma_start3A_155 = tpu.memref_slice %arg7[%rem3A_124, %dma_start3A_149, %dma_start3A_154] : memref<3x1x80xi32, #tpu.memory_space<vmem>> -> memref<1x1x80xi32, #tpu.memory_space<vmem>>
      %dma_start3A_156 = tpu.memref_squeeze %dma_start3A_155 : memref<1x1x80xi32, #tpu.memory_space<vmem>> -> memref<80xi32, #tpu.memory_space<vmem>>
      %dma_start3A_157 = arith.constant 0 : i32
      %dma_start3A_158 = arith.constant 0 : i32
      %dma_start3A_159 = tpu.memref_slice %arg8[%dma_start3A_157, %dma_start3A_158] : memref<10000x128xf32, #tpu.memory_space<vmem_shared>> -> memref<10000x128xf32, #tpu.memory_space<vmem_shared>>
      tpu.enqueue_indirect_dma source(%dma_start3A_153 : memref<80x128xf32, #tpu.memory_space<vmem>>) target(%dma_start3A_159 : memref<10000x128xf32, #tpu.memory_space<vmem_shared>>) offsets(%dma_start3A_156 : memref<80xi32, #tpu.memory_space<vmem>>) semaphore(%arg11 : memref<!tpu.dma_semaphore, #tpu.memory_space<semaphore_mem>>) {add = true}
      %add3A_160 = arith.constant 2 : i32
      %add3A_161 = arith.addi %add3A_123, %add3A_160 : i32
      %lt3A = arith.constant 125 : i32
      %lt3A_162 = arith.cmpi slt, %add3A_161, %lt3A : i32
      %convert_element_type3A_163 = arith.extui %lt3A_162 : i1 to i32
      %cond3A_164 = arith.constant 0 : i32
      %cond3A_165 = arith.cmpi ne, %convert_element_type3A_163, %cond3A_164 : i32
      scf.if %cond3A_165 {
        %add3A_166 = arith.constant 2 : i32
        %add3A_167 = arith.addi %add3A_123, %add3A_166 : i32
        %rem3A_168 = arith.constant 3 : i32
        %rem3A_169 = arith.remsi %add3A_167, %rem3A_168 : i32
        %ge3A = arith.constant 1 : i32
        %ge3A_170 = arith.cmpi sge, %add3A_123, %ge3A : i32
        %convert_element_type3A_171 = arith.extui %ge3A_170 : i1 to i32
        %cond3A_172 = arith.constant 0 : i32
        %cond3A_173 = arith.cmpi ne, %convert_element_type3A_171, %cond3A_172 : i32
        scf.if %cond3A_173 {
          %dma_wait3A_200 = arith.constant 0 : i32
          %dma_wait3A_201 = arith.constant 0 : i32
          %dma_wait3A_202 = arith.constant 0 : i32
          %dma_wait3A_203 = tpu.memref_slice %arg6[%rem3A_169, %dma_wait3A_201, %dma_wait3A_202] : memref<3x80x128xf32, #tpu.memory_space<vmem>> -> memref<1x80x128xf32, #tpu.memory_space<vmem>>
          %dma_wait3A_204 = tpu.memref_squeeze %dma_wait3A_203 : memref<1x80x128xf32, #tpu.memory_space<vmem>> -> memref<80x128xf32, #tpu.memory_space<vmem>>
          %dma_wait3A_205 = arith.constant 0 : i32
          %dma_wait3A_206 = tpu.memref_slice %arg7[%rem3A_169, %dma_wait3A_200, %dma_wait3A_205] : memref<3x1x80xi32, #tpu.memory_space<vmem>> -> memref<1x1x80xi32, #tpu.memory_space<vmem>>
          %dma_wait3A_207 = tpu.memref_squeeze %dma_wait3A_206 : memref<1x1x80xi32, #tpu.memory_space<vmem>> -> memref<80xi32, #tpu.memory_space<vmem>>
          %dma_wait3A_208 = arith.constant 0 : i32
          %dma_wait3A_209 = arith.constant 0 : i32
          %dma_wait3A_210 = tpu.memref_slice %arg8[%dma_wait3A_208, %dma_wait3A_209] : memref<10000x128xf32, #tpu.memory_space<vmem_shared>> -> memref<10000x128xf32, #tpu.memory_space<vmem_shared>>
          tpu.wait_indirect_dma semaphore(%arg11 : memref<!tpu.dma_semaphore, #tpu.memory_space<semaphore_mem>>) src(%dma_wait3A_204 : memref<80x128xf32, #tpu.memory_space<vmem>>) dst(%dma_wait3A_210 : memref<10000x128xf32, #tpu.memory_space<vmem_shared>>)
        } else {
        }
        %add3A_174 = arith.constant 2 : i32
        %add3A_175 = arith.addi %add3A_123, %add3A_174 : i32
        %mul3A_176 = arith.constant 80 : i32
        %mul3A_177 = arith.muli %add3A_175, %mul3A_176 : i32
        %add3A_178 = arith.addi %mul3A_2, %mul3A_177 : i32
        %dma_start3A_179 = arith.constant 0 : i32
        %dma_start3A_180 = arith.constant 0 : i32
        %dma_start3A_181 = tpu.memref_slice %arg6[%rem3A_169, %dma_start3A_179, %dma_start3A_180] : memref<3x80x128xf32, #tpu.memory_space<vmem>> -> memref<1x80x128xf32, #tpu.memory_space<vmem>>
        %dma_start3A_182 = tpu.memref_squeeze %dma_start3A_181 : memref<1x80x128xf32, #tpu.memory_space<vmem>> -> memref<80x128xf32, #tpu.memory_space<vmem>>
        %dma_start3A_183 = arith.constant 0 : i32
        %dma_start3A_184 = tpu.memref_slice %arg2[%add3A_178, %dma_start3A_183] : memref<320000x128xf32, #tpu.memory_space<hbm>> -> memref<80x128xf32, #tpu.memory_space<hbm>>
        %dma_start3A_185 = arith.constant 0 : i32
        %dma_start3A_186 = arith.constant 0 : i32
        %dma_start3A_187 = tpu.memref_slice %arg6[%rem3A_169, %dma_start3A_185, %dma_start3A_186] : memref<3x80x128xf32, #tpu.memory_space<vmem>> -> memref<1x80x128xf32, #tpu.memory_space<vmem>>
        %dma_start3A_188 = tpu.memref_squeeze %dma_start3A_187 : memref<1x80x128xf32, #tpu.memory_space<vmem>> -> memref<80x128xf32, #tpu.memory_space<vmem>>
        %dma_start3A_189 = arith.constant 0 : i32
        %dma_start3A_190 = tpu.memref_slice %arg2[%add3A_178, %dma_start3A_189] : memref<320000x128xf32, #tpu.memory_space<hbm>> -> memref<80x128xf32, #tpu.memory_space<hbm>>
        tpu.enqueue_dma source(%dma_start3A_190 : memref<80x128xf32, #tpu.memory_space<hbm>>) target(%dma_start3A_188 : memref<80x128xf32, #tpu.memory_space<vmem>>) target_semaphore(%arg9 : memref<!tpu.dma_semaphore, #tpu.memory_space<semaphore_mem>>)
        %dma_start3A_191 = arith.constant 0 : i32
        %dma_start3A_192 = arith.constant 0 : i32
        %dma_start3A_193 = tpu.memref_slice %arg7[%rem3A_169, %dma_start3A_191, %dma_start3A_192] : memref<3x1x80xi32, #tpu.memory_space<vmem>> -> memref<1x1x80xi32, #tpu.memory_space<vmem>>
        %dma_start3A_194 = tpu.memref_squeeze %dma_start3A_193 : memref<1x1x80xi32, #tpu.memory_space<vmem>> -> memref<80xi32, #tpu.memory_space<vmem>>
        %dma_start3A_195 = tpu.memref_slice %arg3[%add3A_178] : memref<320000xi32, #tpu.memory_space<hbm>> -> memref<80xi32, #tpu.memory_space<hbm>>
        %dma_start3A_196 = arith.constant 0 : i32
        %dma_start3A_197 = tpu.memref_slice %arg7[%rem3A_169, %dma_start3A_191, %dma_start3A_196] : memref<3x1x80xi32, #tpu.memory_space<vmem>> -> memref<1x1x80xi32, #tpu.memory_space<vmem>>
        %dma_start3A_198 = tpu.memref_squeeze %dma_start3A_197 : memref<1x1x80xi32, #tpu.memory_space<vmem>> -> memref<80xi32, #tpu.memory_space<vmem>>
        %dma_start3A_199 = tpu.memref_slice %arg3[%add3A_178] : memref<320000xi32, #tpu.memory_space<hbm>> -> memref<80xi32, #tpu.memory_space<hbm>>
        tpu.enqueue_dma source(%dma_start3A_199 : memref<80xi32, #tpu.memory_space<hbm>>) target(%dma_start3A_198 : memref<80xi32, #tpu.memory_space<vmem>>) target_semaphore(%arg10 : memref<!tpu.dma_semaphore, #tpu.memory_space<semaphore_mem>>)
      } else {
      }
    }
    %while3A_76 = arith.constant 1 : i32
    scf.for %while3A_121 = %while3A_74 to %while3A_70 step %while3A_76  : i32 {
      %mul3A_122 = arith.muli %while3A_121, %while3A : i32
      %add3A_123 = arith.addi %while3A_67, %mul3A_122 : i32
      %rem3A = arith.constant 3 : i32
      %rem3A_124 = arith.remsi %add3A_123, %rem3A : i32
      %mul3A_125 = arith.constant 80 : i32
      %mul3A_126 = arith.muli %add3A_123, %mul3A_125 : i32
      %add3A_127 = arith.addi %mul3A_2, %mul3A_126 : i32
      %dma_wait3A_128 = arith.constant 0 : i32
      %dma_wait3A_129 = arith.constant 0 : i32
      %dma_wait3A_130 = tpu.memref_slice %arg6[%rem3A_124, %dma_wait3A_128, %dma_wait3A_129] : memref<3x80x128xf32, #tpu.memory_space<vmem>> -> memref<1x80x128xf32, #tpu.memory_space<vmem>>
      %dma_wait3A_131 = tpu.memref_squeeze %dma_wait3A_130 : memref<1x80x128xf32, #tpu.memory_space<vmem>> -> memref<80x128xf32, #tpu.memory_space<vmem>>
      %dma_wait3A_132 = arith.constant 0 : i32
      %dma_wait3A_133 = tpu.memref_slice %arg2[%add3A_127, %dma_wait3A_132] : memref<320000x128xf32, #tpu.memory_space<hbm>> -> memref<80x128xf32, #tpu.memory_space<hbm>>
      %dma_wait3A_134 = arith.constant 0 : i32
      %dma_wait3A_135 = arith.constant 0 : i32
      %dma_wait3A_136 = tpu.memref_slice %arg6[%rem3A_124, %dma_wait3A_134, %dma_wait3A_135] : memref<3x80x128xf32, #tpu.memory_space<vmem>> -> memref<1x80x128xf32, #tpu.memory_space<vmem>>
      %dma_wait3A_137 = tpu.memref_squeeze %dma_wait3A_136 : memref<1x80x128xf32, #tpu.memory_space<vmem>> -> memref<80x128xf32, #tpu.memory_space<vmem>>
      %dma_wait3A_138 = arith.constant 0 : i32
      %dma_wait3A_139 = tpu.memref_slice %arg2[%add3A_127, %dma_wait3A_138] : memref<320000x128xf32, #tpu.memory_space<hbm>> -> memref<80x128xf32, #tpu.memory_space<hbm>>
      tpu.wait_dma2 semaphore(%arg9 : memref<!tpu.dma_semaphore, #tpu.memory_space<semaphore_mem>>) src(%dma_wait3A_139 : memref<80x128xf32, #tpu.memory_space<hbm>>) dst(%dma_wait3A_137 : memref<80x128xf32, #tpu.memory_space<vmem>>)
      %dma_wait3A_140 = arith.constant 0 : i32
      %dma_wait3A_141 = arith.constant 0 : i32
      %dma_wait3A_142 = tpu.memref_slice %arg7[%rem3A_124, %dma_wait3A_140, %dma_wait3A_141] : memref<3x1x80xi32, #tpu.memory_space<vmem>> -> memref<1x1x80xi32, #tpu.memory_space<vmem>>
      %dma_wait3A_143 = tpu.memref_squeeze %dma_wait3A_142 : memref<1x1x80xi32, #tpu.memory_space<vmem>> -> memref<80xi32, #tpu.memory_space<vmem>>
      %dma_wait3A_144 = tpu.memref_slice %arg3[%add3A_127] : memref<320000xi32, #tpu.memory_space<hbm>> -> memref<80xi32, #tpu.memory_space<hbm>>
      %dma_wait3A_145 = arith.constant 0 : i32
      %dma_wait3A_146 = tpu.memref_slice %arg7[%rem3A_124, %dma_wait3A_140, %dma_wait3A_145] : memref<3x1x80xi32, #tpu.memory_space<vmem>> -> memref<1x1x80xi32, #tpu.memory_space<vmem>>
      %dma_wait3A_147 = tpu.memref_squeeze %dma_wait3A_146 : memref<1x1x80xi32, #tpu.memory_space<vmem>> -> memref<80xi32, #tpu.memory_space<vmem>>
      %dma_wait3A_148 = tpu.memref_slice %arg3[%add3A_127] : memref<320000xi32, #tpu.memory_space<hbm>> -> memref<80xi32, #tpu.memory_space<hbm>>
      tpu.wait_dma2 semaphore(%arg10 : memref<!tpu.dma_semaphore, #tpu.memory_space<semaphore_mem>>) src(%dma_wait3A_148 : memref<80xi32, #tpu.memory_space<hbm>>) dst(%dma_wait3A_147 : memref<80xi32, #tpu.memory_space<vmem>>)
      %dma_start3A_149 = arith.constant 0 : i32
      %dma_start3A_150 = arith.constant 0 : i32
      %dma_start3A_151 = arith.constant 0 : i32
      %dma_start3A_152 = tpu.memref_slice %arg6[%rem3A_124, %dma_start3A_150, %dma_start3A_151] : memref<3x80x128xf32, #tpu.memory_space<vmem>> -> memref<1x80x128xf32, #tpu.memory_space<vmem>>
      %dma_start3A_153 = tpu.memref_squeeze %dma_start3A_152 : memref<1x80x128xf32, #tpu.memory_space<vmem>> -> memref<80x128xf32, #tpu.memory_space<vmem>>
      %dma_start3A_154 = arith.constant 0 : i32
      %dma_start3A_155 = tpu.memref_slice %arg7[%rem3A_124, %dma_start3A_149, %dma_start3A_154] : memref<3x1x80xi32, #tpu.memory_space<vmem>> -> memref<1x1x80xi32, #tpu.memory_space<vmem>>
      %dma_start3A_156 = tpu.memref_squeeze %dma_start3A_155 : memref<1x1x80xi32, #tpu.memory_space<vmem>> -> memref<80xi32, #tpu.memory_space<vmem>>
      %dma_start3A_157 = arith.constant 0 : i32
      %dma_start3A_158 = arith.constant 0 : i32
      %dma_start3A_159 = tpu.memref_slice %arg8[%dma_start3A_157, %dma_start3A_158] : memref<10000x128xf32, #tpu.memory_space<vmem_shared>> -> memref<10000x128xf32, #tpu.memory_space<vmem_shared>>
      tpu.enqueue_indirect_dma source(%dma_start3A_153 : memref<80x128xf32, #tpu.memory_space<vmem>>) target(%dma_start3A_159 : memref<10000x128xf32, #tpu.memory_space<vmem_shared>>) offsets(%dma_start3A_156 : memref<80xi32, #tpu.memory_space<vmem>>) semaphore(%arg11 : memref<!tpu.dma_semaphore, #tpu.memory_space<semaphore_mem>>) {add = true}
      %add3A_160 = arith.constant 2 : i32
      %add3A_161 = arith.addi %add3A_123, %add3A_160 : i32
      %lt3A = arith.constant 125 : i32
      %lt3A_162 = arith.cmpi slt, %add3A_161, %lt3A : i32
      %convert_element_type3A_163 = arith.extui %lt3A_162 : i1 to i32
      %cond3A_164 = arith.constant 0 : i32
      %cond3A_165 = arith.cmpi ne, %convert_element_type3A_163, %cond3A_164 : i32
      scf.if %cond3A_165 {
        %add3A_166 = arith.constant 2 : i32
        %add3A_167 = arith.addi %add3A_123, %add3A_166 : i32
        %rem3A_168 = arith.constant 3 : i32
        %rem3A_169 = arith.remsi %add3A_167, %rem3A_168 : i32
        %ge3A = arith.constant 1 : i32
        %ge3A_170 = arith.cmpi sge, %add3A_123, %ge3A : i32
        %convert_element_type3A_171 = arith.extui %ge3A_170 : i1 to i32
        %cond3A_172 = arith.constant 0 : i32
        %cond3A_173 = arith.cmpi ne, %convert_element_type3A_171, %cond3A_172 : i32
        scf.if %cond3A_173 {
          %dma_wait3A_200 = arith.constant 0 : i32
          %dma_wait3A_201 = arith.constant 0 : i32
          %dma_wait3A_202 = arith.constant 0 : i32
          %dma_wait3A_203 = tpu.memref_slice %arg6[%rem3A_169, %dma_wait3A_201, %dma_wait3A_202] : memref<3x80x128xf32, #tpu.memory_space<vmem>> -> memref<1x80x128xf32, #tpu.memory_space<vmem>>
          %dma_wait3A_204 = tpu.memref_squeeze %dma_wait3A_203 : memref<1x80x128xf32, #tpu.memory_space<vmem>> -> memref<80x128xf32, #tpu.memory_space<vmem>>
          %dma_wait3A_205 = arith.constant 0 : i32
          %dma_wait3A_206 = tpu.memref_slice %arg7[%rem3A_169, %dma_wait3A_200, %dma_wait3A_205] : memref<3x1x80xi32, #tpu.memory_space<vmem>> -> memref<1x1x80xi32, #tpu.memory_space<vmem>>
          %dma_wait3A_207 = tpu.memref_squeeze %dma_wait3A_206 : memref<1x1x80xi32, #tpu.memory_space<vmem>> -> memref<80xi32, #tpu.memory_space<vmem>>
          %dma_wait3A_208 = arith.constant 0 : i32
          %dma_wait3A_209 = arith.constant 0 : i32
          %dma_wait3A_210 = tpu.memref_slice %arg8[%dma_wait3A_208, %dma_wait3A_209] : memref<10000x128xf32, #tpu.memory_space<vmem_shared>> -> memref<10000x128xf32, #tpu.memory_space<vmem_shared>>
          tpu.wait_indirect_dma semaphore(%arg11 : memref<!tpu.dma_semaphore, #tpu.memory_space<semaphore_mem>>) src(%dma_wait3A_204 : memref<80x128xf32, #tpu.memory_space<vmem>>) dst(%dma_wait3A_210 : memref<10000x128xf32, #tpu.memory_space<vmem_shared>>)
        } else {
        }
        %add3A_174 = arith.constant 2 : i32
        %add3A_175 = arith.addi %add3A_123, %add3A_174 : i32
        %mul3A_176 = arith.constant 80 : i32
        %mul3A_177 = arith.muli %add3A_175, %mul3A_176 : i32
        %add3A_178 = arith.addi %mul3A_2, %mul3A_177 : i32
        %dma_start3A_179 = arith.constant 0 : i32
        %dma_start3A_180 = arith.constant 0 : i32
        %dma_start3A_181 = tpu.memref_slice %arg6[%rem3A_169, %dma_start3A_179, %dma_start3A_180] : memref<3x80x128xf32, #tpu.memory_space<vmem>> -> memref<1x80x128xf32, #tpu.memory_space<vmem>>
        %dma_start3A_182 = tpu.memref_squeeze %dma_start3A_181 : memref<1x80x128xf32, #tpu.memory_space<vmem>> -> memref<80x128xf32, #tpu.memory_space<vmem>>
        %dma_start3A_183 = arith.constant 0 : i32
        %dma_start3A_184 = tpu.memref_slice %arg2[%add3A_178, %dma_start3A_183] : memref<320000x128xf32, #tpu.memory_space<hbm>> -> memref<80x128xf32, #tpu.memory_space<hbm>>
        %dma_start3A_185 = arith.constant 0 : i32
        %dma_start3A_186 = arith.constant 0 : i32
        %dma_start3A_187 = tpu.memref_slice %arg6[%rem3A_169, %dma_start3A_185, %dma_start3A_186] : memref<3x80x128xf32, #tpu.memory_space<vmem>> -> memref<1x80x128xf32, #tpu.memory_space<vmem>>
        %dma_start3A_188 = tpu.memref_squeeze %dma_start3A_187 : memref<1x80x128xf32, #tpu.memory_space<vmem>> -> memref<80x128xf32, #tpu.memory_space<vmem>>
        %dma_start3A_189 = arith.constant 0 : i32
        %dma_start3A_190 = tpu.memref_slice %arg2[%add3A_178, %dma_start3A_189] : memref<320000x128xf32, #tpu.memory_space<hbm>> -> memref<80x128xf32, #tpu.memory_space<hbm>>
        tpu.enqueue_dma source(%dma_start3A_190 : memref<80x128xf32, #tpu.memory_space<hbm>>) target(%dma_start3A_188 : memref<80x128xf32, #tpu.memory_space<vmem>>) target_semaphore(%arg9 : memref<!tpu.dma_semaphore, #tpu.memory_space<semaphore_mem>>)
        %dma_start3A_191 = arith.constant 0 : i32
        %dma_start3A_192 = arith.constant 0 : i32
        %dma_start3A_193 = tpu.memref_slice %arg7[%rem3A_169, %dma_start3A_191, %dma_start3A_192] : memref<3x1x80xi32, #tpu.memory_space<vmem>> -> memref<1x1x80xi32, #tpu.memory_space<vmem>>
        %dma_start3A_194 = tpu.memref_squeeze %dma_start3A_193 : memref<1x1x80xi32, #tpu.memory_space<vmem>> -> memref<80xi32, #tpu.memory_space<vmem>>
        %dma_start3A_195 = tpu.memref_slice %arg3[%add3A_178] : memref<320000xi32, #tpu.memory_space<hbm>> -> memref<80xi32, #tpu.memory_space<hbm>>
        %dma_start3A_196 = arith.constant 0 : i32
        %dma_start3A_197 = tpu.memref_slice %arg7[%rem3A_169, %dma_start3A_191, %dma_start3A_196] : memref<3x1x80xi32, #tpu.memory_space<vmem>> -> memref<1x1x80xi32, #tpu.memory_space<vmem>>
        %dma_start3A_198 = tpu.memref_squeeze %dma_start3A_197 : memref<1x1x80xi32, #tpu.memory_space<vmem>> -> memref<80xi32, #tpu.memory_space<vmem>>
        %dma_start3A_199 = tpu.memref_slice %arg3[%add3A_178] : memref<320000xi32, #tpu.memory_space<hbm>> -> memref<80xi32, #tpu.memory_space<hbm>>
        tpu.enqueue_dma source(%dma_start3A_199 : memref<80xi32, #tpu.memory_space<hbm>>) target(%dma_start3A_198 : memref<80xi32, #tpu.memory_space<vmem>>) target_semaphore(%arg10 : memref<!tpu.dma_semaphore, #tpu.memory_space<semaphore_mem>>)
      } else {
      }
    }
    %dma_wait3A = arith.constant 2 : i32
    %dma_wait3A_77 = arith.constant 2 : i32
    %dma_wait3A_78 = arith.constant 0 : i32
    %dma_wait3A_79 = arith.constant 0 : i32
    %dma_wait3A_80 = arith.constant 0 : i32
    %dma_wait3A_81 = tpu.memref_slice %arg6[%dma_wait3A, %dma_wait3A_79, %dma_wait3A_80] : memref<3x80x128xf32, #tpu.memory_space<vmem>> -> memref<1x80x128xf32, #tpu.memory_space<vmem>>
    %dma_wait3A_82 = tpu.memref_squeeze %dma_wait3A_81 : memref<1x80x128xf32, #tpu.memory_space<vmem>> -> memref<80x128xf32, #tpu.memory_space<vmem>>
    %dma_wait3A_83 = arith.constant 0 : i32
    %dma_wait3A_84 = tpu.memref_slice %arg7[%dma_wait3A_77, %dma_wait3A_78, %dma_wait3A_83] : memref<3x1x80xi32, #tpu.memory_space<vmem>> -> memref<1x1x80xi32, #tpu.memory_space<vmem>>
    %dma_wait3A_85 = tpu.memref_squeeze %dma_wait3A_84 : memref<1x1x80xi32, #tpu.memory_space<vmem>> -> memref<80xi32, #tpu.memory_space<vmem>>
    %dma_wait3A_86 = arith.constant 0 : i32
    %dma_wait3A_87 = arith.constant 0 : i32
    %dma_wait3A_88 = tpu.memref_slice %arg8[%dma_wait3A_86, %dma_wait3A_87] : memref<10000x128xf32, #tpu.memory_space<vmem_shared>> -> memref<10000x128xf32, #tpu.memory_space<vmem_shared>>
    tpu.wait_indirect_dma semaphore(%arg11 : memref<!tpu.dma_semaphore, #tpu.memory_space<semaphore_mem>>) src(%dma_wait3A_82 : memref<80x128xf32, #tpu.memory_space<vmem>>) dst(%dma_wait3A_88 : memref<10000x128xf32, #tpu.memory_space<vmem_shared>>)
    %dma_wait3A_89 = arith.constant 0 : i32
    %dma_wait3A_90 = arith.constant 0 : i32
    %dma_wait3A_91 = arith.constant 0 : i32
    %dma_wait3A_92 = arith.constant 0 : i32
    %dma_wait3A_93 = arith.constant 0 : i32
    %dma_wait3A_94 = tpu.memref_slice %arg6[%dma_wait3A_89, %dma_wait3A_92, %dma_wait3A_93] : memref<3x80x128xf32, #tpu.memory_space<vmem>> -> memref<1x80x128xf32, #tpu.memory_space<vmem>>
    %dma_wait3A_95 = tpu.memref_squeeze %dma_wait3A_94 : memref<1x80x128xf32, #tpu.memory_space<vmem>> -> memref<80x128xf32, #tpu.memory_space<vmem>>
    %dma_wait3A_96 = arith.constant 0 : i32
    %dma_wait3A_97 = tpu.memref_slice %arg7[%dma_wait3A_90, %dma_wait3A_91, %dma_wait3A_96] : memref<3x1x80xi32, #tpu.memory_space<vmem>> -> memref<1x1x80xi32, #tpu.memory_space<vmem>>
    %dma_wait3A_98 = tpu.memref_squeeze %dma_wait3A_97 : memref<1x1x80xi32, #tpu.memory_space<vmem>> -> memref<80xi32, #tpu.memory_space<vmem>>
    %dma_wait3A_99 = arith.constant 0 : i32
    %dma_wait3A_100 = arith.constant 0 : i32
    %dma_wait3A_101 = tpu.memref_slice %arg8[%dma_wait3A_99, %dma_wait3A_100] : memref<10000x128xf32, #tpu.memory_space<vmem_shared>> -> memref<10000x128xf32, #tpu.memory_space<vmem_shared>>
    tpu.wait_indirect_dma semaphore(%arg11 : memref<!tpu.dma_semaphore, #tpu.memory_space<semaphore_mem>>) src(%dma_wait3A_95 : memref<80x128xf32, #tpu.memory_space<vmem>>) dst(%dma_wait3A_101 : memref<10000x128xf32, #tpu.memory_space<vmem_shared>>)
    %dma_wait3A_102 = arith.constant 1 : i32
    %dma_wait3A_103 = arith.constant 1 : i32
    %dma_wait3A_104 = arith.constant 0 : i32
    %dma_wait3A_105 = arith.constant 0 : i32
    %dma_wait3A_106 = arith.constant 0 : i32
    %dma_wait3A_107 = tpu.memref_slice %arg6[%dma_wait3A_102, %dma_wait3A_105, %dma_wait3A_106] : memref<3x80x128xf32, #tpu.memory_space<vmem>> -> memref<1x80x128xf32, #tpu.memory_space<vmem>>
    %dma_wait3A_108 = tpu.memref_squeeze %dma_wait3A_107 : memref<1x80x128xf32, #tpu.memory_space<vmem>> -> memref<80x128xf32, #tpu.memory_space<vmem>>
    %dma_wait3A_109 = arith.constant 0 : i32
    %dma_wait3A_110 = tpu.memref_slice %arg7[%dma_wait3A_103, %dma_wait3A_104, %dma_wait3A_109] : memref<3x1x80xi32, #tpu.memory_space<vmem>> -> memref<1x1x80xi32, #tpu.memory_space<vmem>>
    %dma_wait3A_111 = tpu.memref_squeeze %dma_wait3A_110 : memref<1x1x80xi32, #tpu.memory_space<vmem>> -> memref<80xi32, #tpu.memory_space<vmem>>
    %dma_wait3A_112 = arith.constant 0 : i32
    %dma_wait3A_113 = arith.constant 0 : i32
    %dma_wait3A_114 = tpu.memref_slice %arg8[%dma_wait3A_112, %dma_wait3A_113] : memref<10000x128xf32, #tpu.memory_space<vmem_shared>> -> memref<10000x128xf32, #tpu.memory_space<vmem_shared>>
    tpu.wait_indirect_dma semaphore(%arg11 : memref<!tpu.dma_semaphore, #tpu.memory_space<semaphore_mem>>) src(%dma_wait3A_108 : memref<80x128xf32, #tpu.memory_space<vmem>>) dst(%dma_wait3A_114 : memref<10000x128xf32, #tpu.memory_space<vmem_shared>>)
    %barrier3A_115 = arith.constant 0 : index
    tpu.barrier barrier_id(%barrier3A_115)
    "tpu.region"() ({
      %run_scoped3A = tpu.sem_alloc : memref<!tpu.dma_semaphore, #tpu.memory_space<semaphore_mem>>
      %dma_start3A_121 = arith.constant 0 : i32
      %dma_start3A_122 = tpu.memref_slice %arg5[%arg0, %mul3A_4, %dma_start3A_121] : memref<2x10000x128xf32, #tpu.memory_space<hbm>> -> memref<1x624x128xf32, #tpu.memory_space<hbm>>
      %dma_start3A_123 = tpu.memref_squeeze %dma_start3A_122 : memref<1x624x128xf32, #tpu.memory_space<hbm>> -> memref<624x128xf32, #tpu.memory_space<hbm>>
      %dma_start3A_124 = arith.constant 0 : i32
      %dma_start3A_125 = tpu.memref_slice %arg8[%mul3A_4, %dma_start3A_124] : memref<10000x128xf32, #tpu.memory_space<vmem_shared>> -> memref<624x128xf32, #tpu.memory_space<vmem_shared>>
      tpu.enqueue_dma source(%dma_start3A_125 : memref<624x128xf32, #tpu.memory_space<vmem_shared>>) target(%dma_start3A_123 : memref<624x128xf32, #tpu.memory_space<hbm>>) target_semaphore(%run_scoped3A : memref<!tpu.dma_semaphore, #tpu.memory_space<semaphore_mem>>)
      %dma_wait3A_126 = arith.constant 0 : i32
      %dma_wait3A_127 = tpu.memref_slice %arg5[%arg0, %mul3A_4, %dma_wait3A_126] : memref<2x10000x128xf32, #tpu.memory_space<hbm>> -> memref<1x624x128xf32, #tpu.memory_space<hbm>>
      %dma_wait3A_128 = tpu.memref_squeeze %dma_wait3A_127 : memref<1x624x128xf32, #tpu.memory_space<hbm>> -> memref<624x128xf32, #tpu.memory_space<hbm>>
      %dma_wait3A_129 = arith.constant 0 : i32
      %dma_wait3A_130 = tpu.memref_slice %arg8[%mul3A_4, %dma_wait3A_129] : memref<10000x128xf32, #tpu.memory_space<vmem_shared>> -> memref<624x128xf32, #tpu.memory_space<vmem_shared>>
      tpu.wait_dma2 semaphore(%run_scoped3A : memref<!tpu.dma_semaphore, #tpu.memory_space<semaphore_mem>>) src(%dma_wait3A_130 : memref<624x128xf32, #tpu.memory_space<vmem_shared>>) dst(%dma_wait3A_128 : memref<624x128xf32, #tpu.memory_space<hbm>>)
      tpu.yield
    }) : () -> ()
    %eq3A_116 = arith.constant 0 : i32
    %eq3A_117 = arith.cmpi eq, %arg1, %eq3A_116 : i32
    %convert_element_type3A_118 = arith.extui %eq3A_117 : i1 to i32
    %cond3A_119 = arith.constant 0 : i32
    %cond3A_120 = arith.cmpi ne, %convert_element_type3A_118, %cond3A_119 : i32
    scf.if %cond3A_120 {
      "tpu.region"() ({
        %run_scoped3A = tpu.sem_alloc : memref<!tpu.dma_semaphore, #tpu.memory_space<semaphore_mem>>
        %dma_start3A_121 = arith.constant 9984 : i32
        %dma_start3A_122 = arith.constant 0 : i32
        %dma_start3A_123 = tpu.memref_slice %arg5[%arg0, %dma_start3A_121, %dma_start3A_122] : memref<2x10000x128xf32, #tpu.memory_space<hbm>> -> memref<1x16x128xf32, #tpu.memory_space<hbm>>
        %dma_start3A_124 = tpu.memref_squeeze %dma_start3A_123 : memref<1x16x128xf32, #tpu.memory_space<hbm>> -> memref<16x128xf32, #tpu.memory_space<hbm>>
        %dma_start3A_125 = arith.constant 9984 : i32
        %dma_start3A_126 = arith.constant 0 : i32
        %dma_start3A_127 = tpu.memref_slice %arg8[%dma_start3A_125, %dma_start3A_126] : memref<10000x128xf32, #tpu.memory_space<vmem_shared>> -> memref<16x128xf32, #tpu.memory_space<vmem_shared>>
        tpu.enqueue_dma source(%dma_start3A_127 : memref<16x128xf32, #tpu.memory_space<vmem_shared>>) target(%dma_start3A_124 : memref<16x128xf32, #tpu.memory_space<hbm>>) target_semaphore(%run_scoped3A : memref<!tpu.dma_semaphore, #tpu.memory_space<semaphore_mem>>)
        %dma_wait3A_128 = arith.constant 9984 : i32
        %dma_wait3A_129 = arith.constant 0 : i32
        %dma_wait3A_130 = tpu.memref_slice %arg5[%arg0, %dma_wait3A_128, %dma_wait3A_129] : memref<2x10000x128xf32, #tpu.memory_space<hbm>> -> memref<1x16x128xf32, #tpu.memory_space<hbm>>
        %dma_wait3A_131 = tpu.memref_squeeze %dma_wait3A_130 : memref<1x16x128xf32, #tpu.memory_space<hbm>> -> memref<16x128xf32, #tpu.memory_space<hbm>>
        %dma_wait3A_132 = arith.constant 9984 : i32
        %dma_wait3A_133 = arith.constant 0 : i32
        %dma_wait3A_134 = tpu.memref_slice %arg8[%dma_wait3A_132, %dma_wait3A_133] : memref<10000x128xf32, #tpu.memory_space<vmem_shared>> -> memref<16x128xf32, #tpu.memory_space<vmem_shared>>
        tpu.wait_dma2 semaphore(%run_scoped3A : memref<!tpu.dma_semaphore, #tpu.memory_space<semaphore_mem>>) src(%dma_wait3A_134 : memref<16x128xf32, #tpu.memory_space<vmem_shared>>) dst(%dma_wait3A_131 : memref<16x128xf32, #tpu.memory_space<hbm>>)
        tpu.yield
      }) : () -> ()
    } else {
    }
    return
  }
}

module attributes {stable_mosaic.version = 14 : i64} {
  func.func @edge_stage(%arg0: i32, %arg1: memref<2560x128xf32, #tpu.memory_space<vmem>>, %arg2: memref<2560x16xf32, #tpu.memory_space<vmem>>, %arg3: memref<16x128xf32, #tpu.memory_space<vmem>>, %arg4: memref<2560x128xf32, #tpu.memory_space<vmem>>) attributes {dimension_semantics = [#tpu.dimension_semantics<arbitrary>], iteration_bounds = array<i64: 125>, scalar_prefetch = 0 : i64, scratch_operands = 0 : i64, tpu.core_type = #tpu.core_type<tc>, window_params = [{transform_indices = @transform_0, window_bounds = array<i64: 2560, 128>}, {transform_indices = @transform_1, window_bounds = array<i64: 2560, 16>}, {pipeline_mode = #tpu.pipeline_mode<synchronous>, transform_indices = @transform_2, window_bounds = array<i64: 16, 128>}, {transform_indices = @transform_3, window_bounds = array<i64: 2560, 128>}]} {
    %get3A = arith.constant 0 : index
    %get3A_0 = arith.constant 0 : index
    %get3A_1 = vector.load %arg2[%get3A, %get3A_0] : memref<2560x16xf32, #tpu.memory_space<vmem>>, vector<2560x16xf32>
    %get3A_2 = arith.constant 0 : index
    %get3A_3 = arith.constant 0 : index
    %get3A_4 = vector.load %arg3[%get3A_2, %get3A_3] : memref<16x128xf32, #tpu.memory_space<vmem>>, vector<16x128xf32>
    %convert_element_type3A = arith.truncf %get3A_1 : vector<2560x16xf32> to vector<2560x16xbf16>
    %convert_element_type3A_5 = arith.extf %convert_element_type3A : vector<2560x16xbf16> to vector<2560x16xf32>
    %sub3A = arith.subf %get3A_1, %convert_element_type3A_5 : vector<2560x16xf32>
    %convert_element_type3A_6 = arith.truncf %sub3A : vector<2560x16xf32> to vector<2560x16xbf16>
    %convert_element_type3A_7 = arith.truncf %get3A_4 : vector<16x128xf32> to vector<16x128xbf16>
    %convert_element_type3A_8 = arith.extf %convert_element_type3A_7 : vector<16x128xbf16> to vector<16x128xf32>
    %sub3A_9 = arith.subf %get3A_4, %convert_element_type3A_8 : vector<16x128xf32>
    %convert_element_type3A_10 = arith.truncf %sub3A_9 : vector<16x128xf32> to vector<16x128xbf16>
    %dot_general3A = arith.constant dense<0.000000e+00> : vector<2560x128xf32>
    %dot_general3A_11 = tpu.matmul %convert_element_type3A, %convert_element_type3A_7, %dot_general3A {dimension_numbers = #tpu.dot_dimension_numbers<[1], [0], [0], [1], [0, 0, 1, 1], [], []>, transpose_lhs_hint = false} : vector<2560x16xbf16>, vector<16x128xbf16>, vector<2560x128xf32> -> vector<2560x128xf32>
    %dot_general3A_12 = arith.constant dense<0.000000e+00> : vector<2560x128xf32>
    %dot_general3A_13 = tpu.matmul %convert_element_type3A, %convert_element_type3A_10, %dot_general3A_12 {dimension_numbers = #tpu.dot_dimension_numbers<[1], [0], [0], [1], [0, 0, 1, 1], [], []>, transpose_lhs_hint = false} : vector<2560x16xbf16>, vector<16x128xbf16>, vector<2560x128xf32> -> vector<2560x128xf32>
    %dot_general3A_14 = arith.constant dense<0.000000e+00> : vector<2560x128xf32>
    %dot_general3A_15 = tpu.matmul %convert_element_type3A_6, %convert_element_type3A_7, %dot_general3A_14 {dimension_numbers = #tpu.dot_dimension_numbers<[1], [0], [0], [1], [0, 0, 1, 1], [], []>, transpose_lhs_hint = false} : vector<2560x16xbf16>, vector<16x128xbf16>, vector<2560x128xf32> -> vector<2560x128xf32>
    %add3A = arith.addf %dot_general3A_13, %dot_general3A_15 : vector<2560x128xf32>
    %add3A_16 = arith.addf %dot_general3A_11, %add3A : vector<2560x128xf32>
    %get3A_17 = arith.constant 0 : index
    %get3A_18 = arith.constant 0 : index
    %get3A_19 = vector.load %arg1[%get3A_17, %get3A_18] : memref<2560x128xf32, #tpu.memory_space<vmem>>, vector<2560x128xf32>
    %mul3A = arith.mulf %get3A_19, %add3A_16 : vector<2560x128xf32>
    %swap3A = arith.constant 0 : index
    %swap3A_20 = arith.constant 0 : index
    %swap3A_21 = vector.load %arg4[%swap3A, %swap3A_20] : memref<2560x128xf32, #tpu.memory_space<vmem>>, vector<2560x128xf32>
    tpu.vector_store %arg4[%swap3A, %swap3A_20], %mul3A {strides = array<i32>} : memref<2560x128xf32, #tpu.memory_space<vmem>>, vector<2560x128xf32>,
    return
  }
  func.func @transform_0(%arg0: i32) -> (i32, i32) {
    %c0_i32 = arith.constant 0 : i32
    %c0_i32_0 = arith.constant 0 : i32
    return %arg0, %c0_i32 : i32, i32
  }
  func.func @transform_1(%arg0: i32) -> (i32, i32) {
    %c0_i32 = arith.constant 0 : i32
    %c0_i32_0 = arith.constant 0 : i32
    return %arg0, %c0_i32 : i32, i32
  }
  func.func @transform_2(%arg0: i32) -> (i32, i32) {
    %c0_i32 = arith.constant 0 : i32
    %c0_i32_0 = arith.constant 0 : i32
    %c0_i32_1 = arith.constant 0 : i32
    return %c0_i32, %c0_i32_0 : i32, i32
  }
  func.func @transform_3(%arg0: i32) -> (i32, i32) {
    %c0_i32 = arith.constant 0 : i32
    %c0_i32_0 = arith.constant 0 : i32
    return %arg0, %c0_i32 : i32, i32
  }
}

module attributes {stable_mosaic.version = 14 : i64} {
  func.func @mlp_stage(%arg0: i32, %arg1: memref<2x1000x128xf32, #tpu.memory_space<vmem>>, %arg2: memref<128x256xf32, #tpu.memory_space<vmem>>, %arg3: memref<256x256xf32, #tpu.memory_space<vmem>>, %arg4: memref<1x256xf32, #tpu.memory_space<vmem>>, %arg5: memref<256x256xf32, #tpu.memory_space<vmem>>, %arg6: memref<1x256xf32, #tpu.memory_space<vmem>>, %arg7: memref<256x256xf32, #tpu.memory_space<vmem>>, %arg8: memref<1x256xf32, #tpu.memory_space<vmem>>, %arg9: memref<256x1xf32, #tpu.memory_space<vmem>>, %arg10: memref<1000x1xf32, #tpu.memory_space<vmem>>) attributes {dimension_semantics = [#tpu.dimension_semantics<arbitrary>], iteration_bounds = array<i64: 10>, scalar_prefetch = 0 : i64, scratch_operands = 0 : i64, tpu.core_type = #tpu.core_type<tc>, window_params = [{transform_indices = @transform_0, window_bounds = array<i64: 2, 1000, 128>}, {pipeline_mode = #tpu.pipeline_mode<synchronous>, transform_indices = @transform_1, window_bounds = array<i64: 128, 256>}, {pipeline_mode = #tpu.pipeline_mode<synchronous>, transform_indices = @transform_2, window_bounds = array<i64: 256, 256>}, {pipeline_mode = #tpu.pipeline_mode<synchronous>, transform_indices = @transform_3, window_bounds = array<i64: 1, 256>}, {pipeline_mode = #tpu.pipeline_mode<synchronous>, transform_indices = @transform_4, window_bounds = array<i64: 256, 256>}, {pipeline_mode = #tpu.pipeline_mode<synchronous>, transform_indices = @transform_5, window_bounds = array<i64: 1, 256>}, {pipeline_mode = #tpu.pipeline_mode<synchronous>, transform_indices = @transform_6, window_bounds = array<i64: 256, 256>}, {pipeline_mode = #tpu.pipeline_mode<synchronous>, transform_indices = @transform_7, window_bounds = array<i64: 1, 256>}, {pipeline_mode = #tpu.pipeline_mode<synchronous>, transform_indices = @transform_8, window_bounds = array<i64: 256, 1>}, {transform_indices = @transform_9, window_bounds = array<i64: 1000, 1>}]} {
    %get3A = arith.constant 0 : index
    %get3A_0 = arith.constant 0 : index
    %get3A_1 = arith.constant 0 : index
    %get3A_2 = vector.load %arg1[%get3A, %get3A_0, %get3A_1] : memref<2x1000x128xf32, #tpu.memory_space<vmem>>, vector<1x1000x128xf32>
    %get3A_3 = vector.shape_cast %get3A_2 : vector<1x1000x128xf32> to vector<1000x128xf32>
    %get3A_4 = arith.constant 1 : index
    %get3A_5 = arith.constant 0 : index
    %get3A_6 = arith.constant 0 : index
    %get3A_7 = vector.load %arg1[%get3A_4, %get3A_5, %get3A_6] : memref<2x1000x128xf32, #tpu.memory_space<vmem>>, vector<1x1000x128xf32>
    %get3A_8 = vector.shape_cast %get3A_7 : vector<1x1000x128xf32> to vector<1000x128xf32>
    %add3A = arith.addf %get3A_3, %get3A_8 : vector<1000x128xf32>
    %get3A_9 = arith.constant 0 : index
    %get3A_10 = arith.constant 0 : index
    %get3A_11 = vector.load %arg2[%get3A_9, %get3A_10] : memref<128x256xf32, #tpu.memory_space<vmem>>, vector<128x256xf32>
    %convert_element_type3A = arith.truncf %add3A : vector<1000x128xf32> to vector<1000x128xbf16>
    %convert_element_type3A_12 = arith.extf %convert_element_type3A : vector<1000x128xbf16> to vector<1000x128xf32>
    %sub3A = arith.subf %add3A, %convert_element_type3A_12 : vector<1000x128xf32>
    %convert_element_type3A_13 = arith.truncf %sub3A : vector<1000x128xf32> to vector<1000x128xbf16>
    %convert_element_type3A_14 = arith.truncf %get3A_11 : vector<128x256xf32> to vector<128x256xbf16>
    %convert_element_type3A_15 = arith.extf %convert_element_type3A_14 : vector<128x256xbf16> to vector<128x256xf32>
    %sub3A_16 = arith.subf %get3A_11, %convert_element_type3A_15 : vector<128x256xf32>
    %convert_element_type3A_17 = arith.truncf %sub3A_16 : vector<128x256xf32> to vector<128x256xbf16>
    %dot_general3A = arith.constant dense<0.000000e+00> : vector<1000x256xf32>
    %dot_general3A_18 = tpu.matmul %convert_element_type3A, %convert_element_type3A_14, %dot_general3A {dimension_numbers = #tpu.dot_dimension_numbers<[1], [0], [0], [1], [0, 0, 1, 1], [], []>, transpose_lhs_hint = false} : vector<1000x128xbf16>, vector<128x256xbf16>, vector<1000x256xf32> -> vector<1000x256xf32>
    %dot_general3A_19 = arith.constant dense<0.000000e+00> : vector<1000x256xf32>
    %dot_general3A_20 = tpu.matmul %convert_element_type3A, %convert_element_type3A_17, %dot_general3A_19 {dimension_numbers = #tpu.dot_dimension_numbers<[1], [0], [0], [1], [0, 0, 1, 1], [], []>, transpose_lhs_hint = false} : vector<1000x128xbf16>, vector<128x256xbf16>, vector<1000x256xf32> -> vector<1000x256xf32>
    %dot_general3A_21 = arith.constant dense<0.000000e+00> : vector<1000x256xf32>
    %dot_general3A_22 = tpu.matmul %convert_element_type3A_13, %convert_element_type3A_14, %dot_general3A_21 {dimension_numbers = #tpu.dot_dimension_numbers<[1], [0], [0], [1], [0, 0, 1, 1], [], []>, transpose_lhs_hint = false} : vector<1000x128xbf16>, vector<128x256xbf16>, vector<1000x256xf32> -> vector<1000x256xf32>
    %add3A_23 = arith.addf %dot_general3A_20, %dot_general3A_22 : vector<1000x256xf32>
    %add3A_24 = arith.addf %dot_general3A_18, %add3A_23 : vector<1000x256xf32>
    %get3A_25 = arith.constant 0 : index
    %get3A_26 = arith.constant 0 : index
    %get3A_27 = vector.load %arg3[%get3A_25, %get3A_26] : memref<256x256xf32, #tpu.memory_space<vmem>>, vector<256x256xf32>
    %convert_element_type3A_28 = arith.truncf %add3A_24 : vector<1000x256xf32> to vector<1000x256xbf16>
    %convert_element_type3A_29 = arith.extf %convert_element_type3A_28 : vector<1000x256xbf16> to vector<1000x256xf32>
    %sub3A_30 = arith.subf %add3A_24, %convert_element_type3A_29 : vector<1000x256xf32>
    %convert_element_type3A_31 = arith.truncf %sub3A_30 : vector<1000x256xf32> to vector<1000x256xbf16>
    %convert_element_type3A_32 = arith.truncf %get3A_27 : vector<256x256xf32> to vector<256x256xbf16>
    %convert_element_type3A_33 = arith.extf %convert_element_type3A_32 : vector<256x256xbf16> to vector<256x256xf32>
    %sub3A_34 = arith.subf %get3A_27, %convert_element_type3A_33 : vector<256x256xf32>
    %convert_element_type3A_35 = arith.truncf %sub3A_34 : vector<256x256xf32> to vector<256x256xbf16>
    %dot_general3A_36 = arith.constant dense<0.000000e+00> : vector<1000x256xf32>
    %dot_general3A_37 = tpu.matmul %convert_element_type3A_28, %convert_element_type3A_32, %dot_general3A_36 {dimension_numbers = #tpu.dot_dimension_numbers<[1], [0], [0], [1], [0, 0, 1, 1], [], []>, transpose_lhs_hint = false} : vector<1000x256xbf16>, vector<256x256xbf16>, vector<1000x256xf32> -> vector<1000x256xf32>
    %dot_general3A_38 = arith.constant dense<0.000000e+00> : vector<1000x256xf32>
    %dot_general3A_39 = tpu.matmul %convert_element_type3A_28, %convert_element_type3A_35, %dot_general3A_38 {dimension_numbers = #tpu.dot_dimension_numbers<[1], [0], [0], [1], [0, 0, 1, 1], [], []>, transpose_lhs_hint = false} : vector<1000x256xbf16>, vector<256x256xbf16>, vector<1000x256xf32> -> vector<1000x256xf32>
    %dot_general3A_40 = arith.constant dense<0.000000e+00> : vector<1000x256xf32>
    %dot_general3A_41 = tpu.matmul %convert_element_type3A_31, %convert_element_type3A_32, %dot_general3A_40 {dimension_numbers = #tpu.dot_dimension_numbers<[1], [0], [0], [1], [0, 0, 1, 1], [], []>, transpose_lhs_hint = false} : vector<1000x256xbf16>, vector<256x256xbf16>, vector<1000x256xf32> -> vector<1000x256xf32>
    %add3A_42 = arith.addf %dot_general3A_39, %dot_general3A_41 : vector<1000x256xf32>
    %add3A_43 = arith.addf %dot_general3A_37, %add3A_42 : vector<1000x256xf32>
    %get3A_44 = arith.constant 0 : index
    %get3A_45 = arith.constant 0 : index
    %get3A_46 = vector.load %arg4[%get3A_44, %get3A_45] : memref<1x256xf32, #tpu.memory_space<vmem>>, vector<1x256xf32>
    %add3A_47 = vector.broadcast %get3A_46 : vector<1x256xf32> to vector<1000x256xf32>
    %add3A_48 = arith.addf %add3A_43, %add3A_47 : vector<1000x256xf32>
    %logistic3A = arith.negf %add3A_48 : vector<1000x256xf32>
    %logistic3A_49 = math.exp %logistic3A : vector<1000x256xf32>
    %logistic3A_50 = arith.constant 1.000000e+00 : f32
    %logistic3A_51 = vector.broadcast %logistic3A_50 : f32 to vector<1000x256xf32>
    %logistic3A_52 = arith.addf %logistic3A_51, %logistic3A_49 : vector<1000x256xf32>
    %logistic3A_53 = arith.divf %logistic3A_51, %logistic3A_52 : vector<1000x256xf32>
    %mul3A = arith.mulf %add3A_48, %logistic3A_53 : vector<1000x256xf32>
    %get3A_54 = arith.constant 0 : index
    %get3A_55 = arith.constant 0 : index
    %get3A_56 = vector.load %arg5[%get3A_54, %get3A_55] : memref<256x256xf32, #tpu.memory_space<vmem>>, vector<256x256xf32>
    %convert_element_type3A_57 = arith.truncf %mul3A : vector<1000x256xf32> to vector<1000x256xbf16>
    %convert_element_type3A_58 = arith.extf %convert_element_type3A_57 : vector<1000x256xbf16> to vector<1000x256xf32>
    %sub3A_59 = arith.subf %mul3A, %convert_element_type3A_58 : vector<1000x256xf32>
    %convert_element_type3A_60 = arith.truncf %sub3A_59 : vector<1000x256xf32> to vector<1000x256xbf16>
    %convert_element_type3A_61 = arith.truncf %get3A_56 : vector<256x256xf32> to vector<256x256xbf16>
    %convert_element_type3A_62 = arith.extf %convert_element_type3A_61 : vector<256x256xbf16> to vector<256x256xf32>
    %sub3A_63 = arith.subf %get3A_56, %convert_element_type3A_62 : vector<256x256xf32>
    %convert_element_type3A_64 = arith.truncf %sub3A_63 : vector<256x256xf32> to vector<256x256xbf16>
    %dot_general3A_65 = arith.constant dense<0.000000e+00> : vector<1000x256xf32>
    %dot_general3A_66 = tpu.matmul %convert_element_type3A_57, %convert_element_type3A_61, %dot_general3A_65 {dimension_numbers = #tpu.dot_dimension_numbers<[1], [0], [0], [1], [0, 0, 1, 1], [], []>, transpose_lhs_hint = false} : vector<1000x256xbf16>, vector<256x256xbf16>, vector<1000x256xf32> -> vector<1000x256xf32>
    %dot_general3A_67 = arith.constant dense<0.000000e+00> : vector<1000x256xf32>
    %dot_general3A_68 = tpu.matmul %convert_element_type3A_57, %convert_element_type3A_64, %dot_general3A_67 {dimension_numbers = #tpu.dot_dimension_numbers<[1], [0], [0], [1], [0, 0, 1, 1], [], []>, transpose_lhs_hint = false} : vector<1000x256xbf16>, vector<256x256xbf16>, vector<1000x256xf32> -> vector<1000x256xf32>
    %dot_general3A_69 = arith.constant dense<0.000000e+00> : vector<1000x256xf32>
    %dot_general3A_70 = tpu.matmul %convert_element_type3A_60, %convert_element_type3A_61, %dot_general3A_69 {dimension_numbers = #tpu.dot_dimension_numbers<[1], [0], [0], [1], [0, 0, 1, 1], [], []>, transpose_lhs_hint = false} : vector<1000x256xbf16>, vector<256x256xbf16>, vector<1000x256xf32> -> vector<1000x256xf32>
    %add3A_71 = arith.addf %dot_general3A_68, %dot_general3A_70 : vector<1000x256xf32>
    %add3A_72 = arith.addf %dot_general3A_66, %add3A_71 : vector<1000x256xf32>
    %get3A_73 = arith.constant 0 : index
    %get3A_74 = arith.constant 0 : index
    %get3A_75 = vector.load %arg6[%get3A_73, %get3A_74] : memref<1x256xf32, #tpu.memory_space<vmem>>, vector<1x256xf32>
    %add3A_76 = vector.broadcast %get3A_75 : vector<1x256xf32> to vector<1000x256xf32>
    %add3A_77 = arith.addf %add3A_72, %add3A_76 : vector<1000x256xf32>
    %logistic3A_78 = arith.negf %add3A_77 : vector<1000x256xf32>
    %logistic3A_79 = math.exp %logistic3A_78 : vector<1000x256xf32>
    %logistic3A_80 = arith.constant 1.000000e+00 : f32
    %logistic3A_81 = vector.broadcast %logistic3A_80 : f32 to vector<1000x256xf32>
    %logistic3A_82 = arith.addf %logistic3A_81, %logistic3A_79 : vector<1000x256xf32>
    %logistic3A_83 = arith.divf %logistic3A_81, %logistic3A_82 : vector<1000x256xf32>
    %mul3A_84 = arith.mulf %add3A_77, %logistic3A_83 : vector<1000x256xf32>
    %get3A_85 = arith.constant 0 : index
    %get3A_86 = arith.constant 0 : index
    %get3A_87 = vector.load %arg7[%get3A_85, %get3A_86] : memref<256x256xf32, #tpu.memory_space<vmem>>, vector<256x256xf32>
    %convert_element_type3A_88 = arith.truncf %mul3A_84 : vector<1000x256xf32> to vector<1000x256xbf16>
    %convert_element_type3A_89 = arith.extf %convert_element_type3A_88 : vector<1000x256xbf16> to vector<1000x256xf32>
    %sub3A_90 = arith.subf %mul3A_84, %convert_element_type3A_89 : vector<1000x256xf32>
    %convert_element_type3A_91 = arith.truncf %sub3A_90 : vector<1000x256xf32> to vector<1000x256xbf16>
    %convert_element_type3A_92 = arith.truncf %get3A_87 : vector<256x256xf32> to vector<256x256xbf16>
    %convert_element_type3A_93 = arith.extf %convert_element_type3A_92 : vector<256x256xbf16> to vector<256x256xf32>
    %sub3A_94 = arith.subf %get3A_87, %convert_element_type3A_93 : vector<256x256xf32>
    %convert_element_type3A_95 = arith.truncf %sub3A_94 : vector<256x256xf32> to vector<256x256xbf16>
    %dot_general3A_96 = arith.constant dense<0.000000e+00> : vector<1000x256xf32>
    %dot_general3A_97 = tpu.matmul %convert_element_type3A_88, %convert_element_type3A_92, %dot_general3A_96 {dimension_numbers = #tpu.dot_dimension_numbers<[1], [0], [0], [1], [0, 0, 1, 1], [], []>, transpose_lhs_hint = false} : vector<1000x256xbf16>, vector<256x256xbf16>, vector<1000x256xf32> -> vector<1000x256xf32>
    %dot_general3A_98 = arith.constant dense<0.000000e+00> : vector<1000x256xf32>
    %dot_general3A_99 = tpu.matmul %convert_element_type3A_88, %convert_element_type3A_95, %dot_general3A_98 {dimension_numbers = #tpu.dot_dimension_numbers<[1], [0], [0], [1], [0, 0, 1, 1], [], []>, transpose_lhs_hint = false} : vector<1000x256xbf16>, vector<256x256xbf16>, vector<1000x256xf32> -> vector<1000x256xf32>
    %dot_general3A_100 = arith.constant dense<0.000000e+00> : vector<1000x256xf32>
    %dot_general3A_101 = tpu.matmul %convert_element_type3A_91, %convert_element_type3A_92, %dot_general3A_100 {dimension_numbers = #tpu.dot_dimension_numbers<[1], [0], [0], [1], [0, 0, 1, 1], [], []>, transpose_lhs_hint = false} : vector<1000x256xbf16>, vector<256x256xbf16>, vector<1000x256xf32> -> vector<1000x256xf32>
    %add3A_102 = arith.addf %dot_general3A_99, %dot_general3A_101 : vector<1000x256xf32>
    %add3A_103 = arith.addf %dot_general3A_97, %add3A_102 : vector<1000x256xf32>
    %get3A_104 = arith.constant 0 : index
    %get3A_105 = arith.constant 0 : index
    %get3A_106 = vector.load %arg8[%get3A_104, %get3A_105] : memref<1x256xf32, #tpu.memory_space<vmem>>, vector<1x256xf32>
    %add3A_107 = vector.broadcast %get3A_106 : vector<1x256xf32> to vector<1000x256xf32>
    %add3A_108 = arith.addf %add3A_103, %add3A_107 : vector<1000x256xf32>
    %logistic3A_109 = arith.negf %add3A_108 : vector<1000x256xf32>
    %logistic3A_110 = math.exp %logistic3A_109 : vector<1000x256xf32>
    %logistic3A_111 = arith.constant 1.000000e+00 : f32
    %logistic3A_112 = vector.broadcast %logistic3A_111 : f32 to vector<1000x256xf32>
    %logistic3A_113 = arith.addf %logistic3A_112, %logistic3A_110 : vector<1000x256xf32>
    %logistic3A_114 = arith.divf %logistic3A_112, %logistic3A_113 : vector<1000x256xf32>
    %mul3A_115 = arith.mulf %add3A_108, %logistic3A_114 : vector<1000x256xf32>
    %get3A_116 = arith.constant 0 : index
    %get3A_117 = arith.constant 0 : index
    %get3A_118 = vector.load %arg9[%get3A_116, %get3A_117] : memref<256x1xf32, #tpu.memory_space<vmem>>, vector<256x1xf32>
    %convert_element_type3A_119 = arith.truncf %mul3A_115 : vector<1000x256xf32> to vector<1000x256xbf16>
    %convert_element_type3A_120 = arith.extf %convert_element_type3A_119 : vector<1000x256xbf16> to vector<1000x256xf32>
    %sub3A_121 = arith.subf %mul3A_115, %convert_element_type3A_120 : vector<1000x256xf32>
    %convert_element_type3A_122 = arith.truncf %sub3A_121 : vector<1000x256xf32> to vector<1000x256xbf16>
    %convert_element_type3A_123 = arith.truncf %get3A_118 : vector<256x1xf32> to vector<256x1xbf16>
    %convert_element_type3A_124 = arith.extf %convert_element_type3A_123 : vector<256x1xbf16> to vector<256x1xf32>
    %sub3A_125 = arith.subf %get3A_118, %convert_element_type3A_124 : vector<256x1xf32>
    %convert_element_type3A_126 = arith.truncf %sub3A_125 : vector<256x1xf32> to vector<256x1xbf16>
    %dot_general3A_127 = arith.constant dense<0.000000e+00> : vector<1000x1xf32>
    %dot_general3A_128 = tpu.matmul %convert_element_type3A_119, %convert_element_type3A_123, %dot_general3A_127 {dimension_numbers = #tpu.dot_dimension_numbers<[1], [0], [0], [1], [0, 0, 1, 1], [], []>, transpose_lhs_hint = false} : vector<1000x256xbf16>, vector<256x1xbf16>, vector<1000x1xf32> -> vector<1000x1xf32>
    %dot_general3A_129 = arith.constant dense<0.000000e+00> : vector<1000x1xf32>
    %dot_general3A_130 = tpu.matmul %convert_element_type3A_119, %convert_element_type3A_126, %dot_general3A_129 {dimension_numbers = #tpu.dot_dimension_numbers<[1], [0], [0], [1], [0, 0, 1, 1], [], []>, transpose_lhs_hint = false} : vector<1000x256xbf16>, vector<256x1xbf16>, vector<1000x1xf32> -> vector<1000x1xf32>
    %dot_general3A_131 = arith.constant dense<0.000000e+00> : vector<1000x1xf32>
    %dot_general3A_132 = tpu.matmul %convert_element_type3A_122, %convert_element_type3A_123, %dot_general3A_131 {dimension_numbers = #tpu.dot_dimension_numbers<[1], [0], [0], [1], [0, 0, 1, 1], [], []>, transpose_lhs_hint = false} : vector<1000x256xbf16>, vector<256x1xbf16>, vector<1000x1xf32> -> vector<1000x1xf32>
    %add3A_133 = arith.addf %dot_general3A_130, %dot_general3A_132 : vector<1000x1xf32>
    %add3A_134 = arith.addf %dot_general3A_128, %add3A_133 : vector<1000x1xf32>
    %swap3A = arith.constant 0 : index
    %swap3A_135 = arith.constant 0 : index
    %swap3A_136 = vector.load %arg10[%swap3A, %swap3A_135] : memref<1000x1xf32, #tpu.memory_space<vmem>>, vector<1000x1xf32>
    tpu.vector_store %arg10[%swap3A, %swap3A_135], %add3A_134 {strides = array<i32>} : memref<1000x1xf32, #tpu.memory_space<vmem>>, vector<1000x1xf32>,
    return
  }
  func.func @transform_0(%arg0: i32) -> (i32, i32, i32) {
    %c0_i32 = arith.constant 0 : i32
    %c0_i32_0 = arith.constant 0 : i32
    %c0_i32_1 = arith.constant 0 : i32
    return %c0_i32, %arg0, %c0_i32_0 : i32, i32, i32
  }
  func.func @transform_1(%arg0: i32) -> (i32, i32) {
    %c0_i32 = arith.constant 0 : i32
    %c0_i32_0 = arith.constant 0 : i32
    %c0_i32_1 = arith.constant 0 : i32
    return %c0_i32, %c0_i32_0 : i32, i32
  }
  func.func @transform_2(%arg0: i32) -> (i32, i32) {
    %c0_i32 = arith.constant 0 : i32
    %c0_i32_0 = arith.constant 0 : i32
    %c0_i32_1 = arith.constant 0 : i32
    return %c0_i32, %c0_i32_0 : i32, i32
  }
  func.func @transform_3(%arg0: i32) -> (i32, i32) {
    %c0_i32 = arith.constant 0 : i32
    %c0_i32_0 = arith.constant 0 : i32
    %c0_i32_1 = arith.constant 0 : i32
    return %c0_i32, %c0_i32_0 : i32, i32
  }
  func.func @transform_4(%arg0: i32) -> (i32, i32) {
    %c0_i32 = arith.constant 0 : i32
    %c0_i32_0 = arith.constant 0 : i32
    %c0_i32_1 = arith.constant 0 : i32
    return %c0_i32, %c0_i32_0 : i32, i32
  }
  func.func @transform_5(%arg0: i32) -> (i32, i32) {
    %c0_i32 = arith.constant 0 : i32
    %c0_i32_0 = arith.constant 0 : i32
    %c0_i32_1 = arith.constant 0 : i32
    return %c0_i32, %c0_i32_0 : i32, i32
  }
  func.func @transform_6(%arg0: i32) -> (i32, i32) {
    %c0_i32 = arith.constant 0 : i32
    %c0_i32_0 = arith.constant 0 : i32
    %c0_i32_1 = arith.constant 0 : i32
    return %c0_i32, %c0_i32_0 : i32, i32
  }
  func.func @transform_7(%arg0: i32) -> (i32, i32) {
    %c0_i32 = arith.constant 0 : i32
    %c0_i32_0 = arith.constant 0 : i32
    %c0_i32_1 = arith.constant 0 : i32
    return %c0_i32, %c0_i32_0 : i32, i32
  }
  func.func @transform_8(%arg0: i32) -> (i32, i32) {
    %c0_i32 = arith.constant 0 : i32
    %c0_i32_0 = arith.constant 0 : i32
    %c0_i32_1 = arith.constant 0 : i32
    return %c0_i32, %c0_i32_0 : i32, i32
  }
  func.func @transform_9(%arg0: i32) -> (i32, i32) {
    %c0_i32 = arith.constant 0 : i32
    %c0_i32_0 = arith.constant 0 : i32
    return %arg0, %c0_i32 : i32, i32
  }
}

</mosaic_0001>

<sc_bundles>
// kernel: kernel.3.cloned.1.call-start
scs
__scs_entry_jumppad:
0x0: {  	(pc) =	sbr.rel $0x88, $3  }
0x1: {  	(tag) =	ssettag $0x0;
	lr =	simm.s32 $0x1  }
0x2: {  	[smem:$0x3F95] =	sst lr;
	_ =	strace $0xD0000000  }
0x3: {  	_ = 	snop  }
0x4: {  	_ = 	snop  }
0x5: {  	_ = 	snop  }
0x6: {  	_ = 	snop  }
0x7: {  	_ = 	snop  }
__scs_overlays_trampoline_lowered:
0x8: {  	[smem:$0x3FA4] =	sst s0  }
0x9: {  	[smem:$0x3FA5] =	sst s1  }
0xa: {  	[smem:$0x3FA6] =	sst s2  }
0xb: {  	[smem:$0x3FA7] =	sst s3  }
0xc: {  	[smem:$0x3FA8] =	sst s4  }
0xd: {  	[smem:$0x3FA9] =	sst s5  }
0xe: {  	[smem:$0x3FAA] =	sst s6  }
0xf: {  	[smem:$0x3FAB] =	sst s7  }
0x10: {  	[smem:$0x3FAC] =	sst s8  }
0x11: {  	[smem:$0x3FAD] =	sst s9;
	s0 =	simm.s32 @!p0 $0x0  }
0x12: {  	s1 =	sld [smem:$0x3F93];
	s0 =	simm.s32 @p0 $0x1  }
0x13: {  	[smem:$0x3FAE] =	sst s0;
	s0 =	simm.s32 @!p1 $0x0  }
0x14: {  	s2 =	sld [smem:$0x3F92];
	s0 =	simm.s32 @p1 $0x1  }
0x15: {  	[smem:$0x3FAF] =	sst s0;
	s0 =	simm.s32 @!p2 $0x0  }
0x16: {  	s3 =	sld [smem:$0x3FDB];
	s0 =	simm.s32 @p2 $0x1  }
0x17: {  	s4 =	simm.s32 $0x1BF5;
	[smem:$0x3FB1] =	sst s0  }
0x18: {  	s0 =	sld [smem:$0x3F94];
	_ =	swait.ge [sflag:s4], $0x0  }
0x19: {  	s7 =	sld [smem:$0x3F95]  }
0x1a: {  	s8 =	sadd.s32 $0xFFFFE003, lr  }
0x1b: {  	s9 =	sadd.s32 $0xFFFFFEF7, lr;
	s5 =	simm.s32 $0xFFFFFFFF;
	p2 =	slt.u32 s8, $0xFFFFF086  }
0x1c: {  	p1 =	slt.u32 s9, $0xF7A;
	s5 =	simm.s32 @!p2 $0x0  }
0x1d: {  	s5 =	simm.s32 @p1 $0x1;
	p0 =	seq.s32 s7, s2  }
0x1e: {  	s7 =	smul.u32 @!p0 $0xF7A, s2;
	p2 =	seq.s32 @!p0 s5, $0x0  }
0x1f: {  	s9 =	smul.u32 $0xF7A, s1;
	s8 =	simm.s32 @!p0 $0x1BF5;
	p2 =	por !p2, p0  }
0x20: {  	[sflag:s8] =	ssyncset.s32 @!p0 $0xFFFFF086;
	s6 =	sadd.s32 @!p0 s3, s7;
	s7 =	simm.s32 @!p0 $0x108  }
0x21: {  	s3 =	sadd.s32 s3, s9;
	s6 =	sadd.s32 @!p0 $0x88, s6;
	s7 =	simm.s32 @p2 $0x1082  }
0x22: {  	[simem:s7], [sflag:s8] =	dma.local @!p0 [hbm:s6], $0xF7A  }
0x23: {  	s9 =	sor.u32 $0xD0000000, s2;
	s6 =	simm.s32 $0x108;
	_ =	swait.ge @!p0 [sflag:s8], $0x0  }
0x24: {  	s3 =	sadd.s32 $0x88, s3;
	s6 =	simm.s32 @!p1 $0x1082;
	[sflag:s4] =	ssyncset.s32 $0xFFFFF086  }
0x25: {  	[simem:s6], [sflag:s4] =	dma.local [hbm:s3], $0xF7A  }
0x26: {  	[smem:$0x3F95] =	sst s1;
	(tag) =	ssettag s2;
	_ =	strace s9  }
0x27: {  	s1 =	sld [smem:$0x3FA5]  }
0x28: {  	s2 =	sld [smem:$0x3FA6]  }
0x29: {  	s4 =	sld [smem:$0x3FA8]  }
0x2a: {  	p0 =	seq.s32 s5, $0x0;
	s5 =	sld [smem:$0x3FA9]  }
0x2b: {  	s6 =	sld [smem:$0x3FAA]  }
0x2c: {  	s7 =	sld [smem:$0x3FAB]  }
0x2d: {  	s3 =	simm.s32 $0x108;
	s8 =	sld [smem:$0x3FAC]  }
0x2e: {  	s3 =	simm.s32 @!p0 $0x1082;
	s9 =	sld [smem:$0x3FAD]  }
0x2f: {  	lr =	sadd.s32 s0, s3;
	s0 =	sld [smem:$0x3FA4]  }
0x30: {  	s3 =	sld [smem:$0x3FA7]  }
0x31: {  	[smem:$0x3FB0] =	sst s10  }
0x32: {  	s10 =	sld [smem:$0x3FAE];
	_ =	sdelay $0x3  }
0x33: {  	p0 =	seq.s32 s10, $0x1;
	s10 =	sld [smem:$0x3FB0];
	_ =	sdelay $0x3  }
0x34: {  	[smem:$0x3FB0] =	sst s10  }
0x35: {  	s10 =	sld [smem:$0x3FAF];
	_ =	sdelay $0x3  }
0x36: {  	p1 =	seq.s32 s10, $0x1;
	s10 =	sld [smem:$0x3FB0];
	_ =	sdelay $0x3  }
0x37: {  	[smem:$0x3FB0] =	sst s10  }
0x38: {  	s10 =	sld [smem:$0x3FB1]  }
0x39: {  	_ = 	snop;
	(pc) =	sbr.ind lr, $3  }
0x3a: {  	_ = 	snop  }
0x3b: {  	_ = 	snop  }
0x3c: {  	p2 =	seq.s32 s10, $0x1;
	s10 =	sld [smem:$0x3FB0]  }
0x3d: {  	_ =	shalt  }
0x3e: {  	_ =	shalt  }
0x3f: {  	_ =	shalt  }
0x40: {  	_ =	shalt  }
0x41: {  	_ =	shalt  }
0x42: {  	_ =	shalt  }
0x43: {  	_ =	shalt  }
0x44: {  	_ =	shalt  }
0x45: {  	_ =	shalt  }
0x46: {  	_ =	shalt  }
0x47: {  	_ =	shalt  }
0x48: {  	_ =	shalt  }
0x49: {  	_ =	shalt  }
0x4a: {  	_ =	shalt  }
0x4b: {  	_ =	shalt  }
0x4c: {  	_ =	shalt  }
0x4d: {  	_ =	shalt  }
0x4e: {  	_ =	shalt  }
0x4f: {  	_ =	shalt  }
0x50: {  	_ =	shalt  }
0x51: {  	_ =	shalt  }
0x52: {  	_ =	shalt  }
0x53: {  	_ =	shalt  }
0x54: {  	_ =	shalt  }
0x55: {  	_ =	shalt  }
0x56: {  	_ =	shalt  }
0x57: {  	_ =	shalt  }
0x58: {  	_ =	shalt  }
0x59: {  	_ =	shalt  }
0x5a: {  	_ =	shalt  }
0x5b: {  	_ =	shalt  }
0x5c: {  	_ =	shalt  }
0x5d: {  	_ =	shalt  }
0x5e: {  	_ =	shalt  }
0x5f: {  	_ =	shalt  }
0x60: {  	_ =	shalt  }
0x61: {  	_ =	shalt  }
0x62: {  	_ =	shalt  }
0x63: {  	_ =	shalt  }
0x64: {  	_ =	shalt  }
0x65: {  	_ =	shalt  }
0x66: {  	_ =	shalt  }
0x67: {  	_ =	shalt  }
0x68: {  	_ =	shalt  }
0x69: {  	_ =	shalt  }
0x6a: {  	_ =	shalt  }
0x6b: {  	_ =	shalt  }
0x6c: {  	_ =	shalt  }
0x6d: {  	_ =	shalt  }
0x6e: {  	_ =	shalt  }
0x6f: {  	_ =	shalt  }
0x70: {  	_ =	shalt  }
0x71: {  	_ =	shalt  }
0x72: {  	_ =	shalt  }
0x73: {  	_ =	shalt  }
0x74: {  	_ =	shalt  }
0x75: {  	_ =	shalt  }
0x76: {  	_ =	shalt  }
0x77: {  	_ =	shalt  }
0x78: {  	_ =	shalt  }
0x79: {  	_ =	shalt  }
0x7a: {  	_ =	shalt  }
0x7b: {  	_ =	shalt  }
0x7c: {  	_ =	shalt  }
0x7d: {  	_ =	shalt  }
0x7e: {  	_ =	shalt  }
0x7f: {  	_ =	shalt  }
0x80: {  	_ =	shalt  }
0x81: {  	_ =	shalt  }
0x82: {  	_ =	shalt  }
0x83: {  	_ =	shalt  }
0x84: {  	_ =	shalt  }
0x85: {  	_ =	shalt  }
0x86: {  	_ =	shalt  }
0x87: {  	_ =	shalt  }
.Lfunc_end0:
.L_simem_size_0:
called_computation_lowered:
.L_overlay_start_0:
0x88: {  	s2 =	sld [smem:$0x3FD9]  }
0x89: {  	s3 =	sld [smem:$0x3FFE];
	_ =	sdelay $0x1  }
0x8a: {  	s1 =	srdreg.scid  }
0x8b: {  	s0 =	sand.u32 $0x1, s1  }
0x8c: {  	s16 =	sshll.u32 s0, $0xA;
	s2 =	sadd.s32 s3, s2  }
0x8d: {  	s2 =	sadd.s32 s2, s16  }
0x8e: {  	[smem:$0x3FBC] =	sst s2  }
0x8f: {  	_ = 	snop  }
0x90: {  	(tm) =	ssettm $0x1  }
0x91: {  	s17 =	sld [smem:$0x3FFB];
	_ =	sdelay $0x3  }
0x92: {  	_ =	strace s17  }
0x93: {  	s2 =	sld [smem:$0x3FFC];
	_ =	sdelay $0x3  }
0x94: {  	_ =	strace s2  }
0x95: {  	s2 =	sld [smem:$0x3FFD];
	_ =	sdelay $0x3  }
0x96: {  	_ =	strace s2  }
0x97: {  	_ =	strace $0x8FFFFFFF  }
0x98: {  	s18 =	sld [smem:$0x3FDB];
	_ =	sdelay $0x1  }
0x99: {  	s19 =	simm.s32 $_scs_section_size  }
0x9a: {  	s4 =	simm.s32 $_size__tile_overlayer_lowered;
	s5 =	simm.s32 $_tile_overlayer_lowered  }
0x9b: {  	s22 =	simm.s32 $0x1BFF;
	s21 =	sshll.u32 s5, $0x1;
	s2 =	sadd.s32 s19, s18  }
0x9c: {  	s6 =	simm.s32 $0x0;
	s20 =	sshll.u32 s4, $0x1;
	s4 =	sadd.s32 s21, s2  }
0x9d: {  	[timem:s6], [sflag:s22] =	dma.local [hbm:s4], s20  }
0x9e: {  	_ =	swait.ge [sflag:s22], s20  }
0x9f: {  	s3 =	ssub.s32 $0x0, s20;
	[sflag:s22] =	ssyncset.done $0x0  }
0xa0: {  	[sflag:s22] =	ssyncadd.s32 s3;
	_ =	sdelay $0x1  }
0xa1: {  	s23 =	simm.s32 $0x1B8B  }
0xa2: {  	_ =	swait.ge [sflag:s23], $0x1  }
0xa3: {  	[sflag:s23] =	ssyncset.done $0x0  }
0xa4: {  	s25 =	simm.s32 $0x1B8E;
	s24 =	sld [smem:$0x3FFE];
	[sflag:s23] =	ssyncadd.s32 $0xFFFFFFFF  }
0xa5: {  	s26 =	simm.s32 $execute0_lowered;
	[smem:$0x3FD2] =	sst s25  }
0xa6: {  	s4 =	sshll.u32 s26, $0x1;
	_ =	strace $0x80000046;
	[dreg:$0x1] =	wrdreg $0xFFFFFFFF  }
0xa7: {  	s28 =	simm.s32 $_size_execute0_lowered;
	s2 =	sadd.s32 s2, s4;
	[dreg:$0x0] =	wrdreg $0x0  }
0xa8: {  	s4 =	sshll.u32 s28, $0x1;
	[dreg:$0x2] =	wrdreg s2  }
0xa9: {  	[dreg:$0x3] =	wrdreg s4  }
0xaa: {  	[dreg:$0x4] =	wrdreg $0xC0  }
0xab: {  	_ =	task [dreg:s6], $0x5FFFF  }
0xac: {  	[dreg:$0x1] =	wrdreg $0xFFFFFFFF  }
0xad: {  	[dreg:$0x0] =	wrdreg $0x60  }
0xae: {  	[dreg:$0x2] =	wrdreg s24  }
0xaf: {  	[dreg:$0x3] =	wrdreg $0x79800  }
0xb0: {  	[dreg:$0x4] =	wrdreg $0x9  }
0xb1: {  	_ =	task.clear_ibuf [dreg:s6], $0x5FFFF;
	_ =	strace $0x90000046  }
0xb2: {  	s29 =	simm.s32 $0x9;
	_ =	strace $0x80000048  }
0xb3: {  	_ =	swait.ge [sflag:s29], $0x1  }
0xb4: {  	[sflag:s29] =	ssyncadd.s32 $0xFFFFFFFF  }
0xb5: {  	_ =	strace $0x90000048  }
0xb6: {  	_ =	sfence  }
0xb7: {  	s30 =	sld [smem:$0x0];
	_ =	sdelay $0x2  }
0xb8: {  	s31 =	sshll.u32 s1, $0xD;
	s1 =	sshrl.u32 s1, $0x2  }
0xb9: {  	s3 =	sand.u32 $0x4000, s31;
	s1 =	sadd.s32 s1, s30  }
0xba: {  	s0 =	sor.u32 s3, s0;
	s1 =	sshll.u32 s1, $0x11  }
0xbb: {  	s0 =	sor.u32 s1, s0  }
0xbc: {  	s0 =	sadd.s32 $0x8F2B, s0  }
0xbd: {  	[sflag:s0] =	ssyncadd.remote.s32 $0x1  }
0xbe: {  	_ =	sfence.sel $0xFFFF  }
0xbf: {  	[dreg:$0x0] =	wrdreg $0xFFFFFFFF;
	(pc) =	sbr.abs _section_cstart, $3  }
0xc0: {  	[dreg:$0x1] =	wrdreg $0xFFFFFFFF  }
0xc1: {  	_ =	task.clear_ibuf [dreg:s6], $0x2FFFF;
	_ =	strace $0x9FFFFFFF  }
0xc2: {  	(tm) =	ssettm $0x7FFFFFFF  }
0xc3: {  	_ =	shalt  }
tec
execute0_lowered:
.L_overlay_start_1:
0x0: {  	(tag) =	ssettag $0x1  }
0x1: {  	s0 =	rddreg [dreg:$0x0]  }
0x2: {  	s1 =	rddreg [dreg:$0x1];
	s14 =	stileid.u32  }
0x3: {  	s3 =	srdreg.scid;
	s2 =	simm.s32 $0x0;
	s11 =	smul.u32 $0x13800, s14  }
0x4: {  	s22 =	simm.s32 $0x2;
	s23 =	simm.s32 $0x50;
	s8 =	smul.u32 $0x4E000, s14  }
0x5: {  	s10 =	sand.u32 $0x1, s3;
	s12 =	sadd.s32 $0x4ECC00, s0;
	s30 =	smul.u32 $0x2710, s14  }
0x6: {  	[smem:$0x7FF] =	sst s2;
	s15 =	sadd.s32 $0x4E2E00, s0;
	s21 =	smul.u32 $0x27100, s14  }
0x7: {  	s13 =	sadd.s32 $0x28000, s0;
	s28 =	sshll.u32 s14, $0x6;
	s19 =	smul.u32 $0x138800, s10  }
0x8: {  	p0 =	sne.s32 s14, $0x0;
	s3 =	sshll.u32 s10, $0x4;
	s29 =	smul.u32 $0x271000, s10  }
0x9: {  	_ =	strace $0x80000047;
	s4 =	ssub.s32 $0x2, s10;
	s20 =	smul.u32 $0x27100, s10  }
0xa: {  	s3 =	sor.u32 s14, s3;
	s5 =	sshrl.u32 s11, $0x3;
	s6 =	sshrl.u32 s4, $0x1  }
0xb: {  	s25 =	sshrl.u32 s8, $0x2;
	s8 =	sadd.s32 $0x27E00, s0;
	s7 =	smul.u32 $0x2710, s3  }
0xc: {  	s3 =	smul.u32 $0x27100, s3;
	s5 =	sadd.s32 s5, s0;
	s16 =	ssub.s32 s4, s6  }
0xd: {  	s17 =	sadd.s32 s25, s1;
	s6 =	sor.u32 $0x1C04, s28;
	s11 =	sadd.s32 s11, s19  }
0xe: {  	s19 =	sshrl.u32 s19, $0x3;
	s0 =	sadd.s32 s29, s12;
	s25 =	simm.s32 $0x0  }
0xf: {  	s5 =	sadd.s32 $0xE00, s5;
	s11 =	sshrl.u32 s11, $0x3;
	s0 =	sadd.s32 s21, s0  }
0x10: {  	s17 =	sshrl.u32 s17, $0x3;
	s21 =	simm.s32 $0x1;
	s3 =	sadd.s32 s12, s3  }
0x11: {  	s24 =	sshrl.u32 s7, $0x3;
	s18 =	sadd.s32 $0x50, s7;
	s7 =	sadd.s32 $0x138000, s1  }
0x12: {  	s11 =	sadd.s32 s13, s11;
	s13 =	sadd.s32 s13, s19;
	s0 =	sadd.s32 $0xA00, s0  }
0x13: {  	[dreg:$0x3] =	wrdreg s3;
	s9 =	sshll.u32 s18, $0x4;
	s18 =	sshrl.u32 s18, $0x3  }
0x14: {  	s26 =	sadd.s32 s15, s24;
	s10 =	sadd.s32 s15, s18;
	s18 =	sadd.s32 s30, s20  }
0x15: {  	s24 =	simm.s32 $0x3;
	[dreg:$0x4] =	wrdreg s26;
	s18 =	sadd.s32 $0xA0, s18  }
0x16: {  	s9 =	sadd.s32 s12, s9;
	s12 =	sadd.s32 $0x27000, s13;
	s31 =	sshrl.u32 s18, $0x3  }
0x17: {  	s13 =	smax.u32 s16, $0x1;
	s18 =	simm.s32 $0x4;
	s15 =	sadd.s32 s31, s15  }
.LBB2_1:
0x18: {  	s3 =	rddreg [dreg:$0x3]  }
0x19: {  	[tilespmem:s2], [sflag:$0x1] =	stream.linear.gather [hbm4b:s3+s2], $0x2800, $0x38;
	[tilespmem:$0x1B200] =	vst v63  }
0x1a: {  	s14 =	rddreg [dreg:$0x4];
	s4 =	simm.s32 $0x7800  }
0x1b: {  	[tilespmem:s4], [sflag:$0x2] =	stream.linear.gather [hbm4b:s14+s2], $0x50, $0x38;
	[tilespmem:$0x1B200] =	vst v63  }
0x1c: {  	[spmem:s17], [sflag:s6] =	dma.local [hbm:s5], $0x2700  }
0x1d: {  	_ =	swait.ge [sflag:s18], $0x2700  }
0x1e: {  	[sflag:s18] =	ssyncset.done $0x0  }
0x1f: {  	s26 =	sshrl.u32 @!p0 s7, $0x3;
	s14 =	simm.s32 @!p0 $0x4;
	[sflag:s18] =	ssyncadd.s32 $0xFFFFD900  }
0x20: {  	[spmem:s26], [sflag:s6] =	dma.local @!p0 [hbm:s8], $0x100  }
0x21: {  	s19 =	smul.u32 $0xAB, s2;
	_ =	swait.ge @!p0 [sflag:s14], $0x100  }
0x22: {  	s16 =	simm.s32 $0x2800;
	[sflag:s14] =	ssyncset.done @!p0 $0x0  }
0x23: {  	s20 =	simm.s32 $0x7880;
	[sflag:s14] =	ssyncadd.s32 @!p0 $0xFFFFFF00;
	s14 =	sshrl.u32 s19, $0x9  }
0x24: {  	p1 =	por $0x0, $0x0;
	[bflag:$0x0] =	sbarrier.arrive $0xFFFF;
	s14 =	sand.u32 $0x7F, s14  }
0x25: {  	[tilespmem:s16], [sflag:$0x1] =	stream.linear.gather [hbm4b:s9+s2], $0x2800, $0x38;
	[tilespmem:$0x1B200] =	vst v63  }
0x26: {  	s28 =	simm.s32 $0x1;
	s16 =	simm.s32 $0x2;
	s14 =	smul.u32 $0x3, s14  }
0x27: {  	s30 =	sadd.s32 $0xA, s15;
	s31 =	smov.u32 s15;
	s16 =	smul.u32 @!p1 $0xAB, s16  }
0x28: {  	[tilespmem:s20], [sflag:$0x2] =	stream.linear.gather [hbm4b:s10+s2], $0x50, $0x38;
	[tilespmem:$0x1B200] =	vst v63  }
0x29: {  	p2 =	por @!p1 $0x1, $0x1;
	s14 =	ssub.s32 $0x0, s14;
	_ =	swait.ge [sflag:s21], $0x2800  }
0x2a: {  	s14 =	sand.u32 $0xFF, s14;
	s16 =	sshrl.u32 @!p1 s16, $0x9;
	[sflag:s21] =	ssyncset.done $0x0  }
0x2b: {  	s19 =	smul.u32 $0xA000, s14;
	s16 =	sand.u32 @!p1 $0x7F, s16;
	[sflag:s21] =	ssyncadd.s32 $0xFFFFD800  }
0x2c: {  	s14 =	sshll.u32 s14, $0x7;
	s16 =	smul.u32 @!p1 $0x3, s16;
	_ =	swait.ge [sflag:s22], $0x50  }
0x2d: {  	p2 =	por p2, p1;
	s14 =	sor.u32 $0x7800, s14;
	[sflag:s22] =	ssyncset.done $0x0  }
0x2e: {  	s19 =	sshrl.u32 s19, $0x2;
	s16 =	ssub.s32 @!p1 $0x2, s16;
	[sflag:s22] =	ssyncadd.s32 $0xFFFFFFB0  }
0x2f: {  	[spmem:s1] =	stream.indirect.scatter.add.f32 [tilespmem:s19], [sflag:$0x3], $0x80, s14, s23, $0xb8;
	[tilespmem:$0x1B200] =	vst v63  }
0x30: {  	s20 =	simm.s32 @!p2 $0x3;
	s14 =	sand.u32 @!p1 $0xFF, s16;
	s16 =	simm.s32 @!p1 $0x0  }
0x31: {  	_ =	swait.ge @!p2 [sflag:s20], $0x2800;
	s29 =	smul.u32 @!p1 $0xA000, s14;
	s14 =	sshll.u32 @!p1 s14, $0x7  }
0x32: {  	[sflag:s20] =	ssyncset.done @!p2 $0x0;
	s19 =	sadd.s32 @!p1 $0x7800, s14;
	s14 =	smov.u32 s0  }
0x33: {  	[sflag:s20] =	ssyncadd.s32 @!p2 $0xFFFFD800;
	s20 =	sshrl.u32 @!p1 s29, $0x2;
	s29 =	sadd.s32 $0x500, s0  }
.LBB2_2:
0x34: {  	[tilespmem:s20], [sflag:$0x1] =	stream.linear.gather @!p1 [hbm4b:s14+s16], $0x2800, $0x38;
	[tilespmem:$0x1B200] =	vst v63  }
0x35: {  	s14 =	smul.u32 $0xAB, s28;
	s20 =	smov.u32 s28;
	s28 =	sadd.s32 $0x1, s28  }
0x36: {  	[tilespmem:s19], [sflag:$0x2] =	stream.linear.gather @!p1 [hbm4b:s31+s16], $0x50, $0x38;
	[tilespmem:$0x1B200] =	vst v63  }
0x37: {  	p2 =	sne.s32 s28, $0x7D;
	s14 =	sshrl.u32 s14, $0x9;
	_ =	swait.ge [sflag:s21], $0x2800  }
0x38: {  	s16 =	sadd.s32 $0x2, s20;
	s14 =	sand.u32 $0x7F, s14;
	[sflag:s21] =	ssyncset.done $0x0  }
0x39: {  	p1 =	sgt.u32 s20, $0x7A;
	s19 =	smul.u32 $0x3, s14;
	[sflag:s21] =	ssyncadd.s32 $0xFFFFD800  }
0x3a: {  	s3 =	smul.u32 @!p1 $0xAB, s16;
	p3 =	seq.s32 @!p1 s20, $0x0;
	s14 =	smov.u32 s29  }
0x3b: {  	s31 =	smov.u32 s30;
	s19 =	ssub.s32 s20, s19  }
0x3c: {  	s3 =	sshrl.u32 @!p1 s3, $0x9;
	s19 =	sand.u32 $0xFF, s19;
	_ =	swait.ge [sflag:s22], $0x50  }
0x3d: {  	s3 =	sand.u32 @!p1 $0x7F, s3;
	s20 =	smul.u32 $0xA000, s19;
	s19 =	sshll.u32 s19, $0x7  }
0x3e: {  	s3 =	smul.u32 @!p1 $0x3, s3;
	s19 =	sor.u32 $0x7800, s19;
	[sflag:s22] =	ssyncset.done $0x0  }
0x3f: {  	p3 =	por p3, p1;
	s20 =	sshrl.u32 s20, $0x2;
	[sflag:s22] =	ssyncadd.s32 $0xFFFFFFB0  }
0x40: {  	s4 =	simm.s32 @!p3 $0x3;
	s3 =	ssub.s32 @!p1 s16, s3  }
0x41: {  	[spmem:s1] =	stream.indirect.scatter.add.f32 [tilespmem:s20], [sflag:$0x3], $0x80, s19, s23, $0xb8;
	[tilespmem:$0x1B200] =	vst v63  }
.Ltmp0:
0x42: {  	_ = 	snop;
	(pc) =	sbr.rel @p2 .LBB2_2-.Ltmp0, $4  }
0x43: {  	s16 =	simm.s32 @!p1 $0x0;
	s3 =	sand.u32 @!p1 $0xFF, s3;
	_ =	swait.ge @!p3 [sflag:s4], $0x2800  }
0x44: {  	s20 =	smul.u32 @!p1 $0xA000, s3;
	s3 =	sshll.u32 @!p1 s3, $0x7;
	[sflag:s4] =	ssyncset.done @!p3 $0x0  }
0x45: {  	s19 =	sadd.s32 @!p1 $0x7800, s3;
	[sflag:s4] =	ssyncadd.s32 @!p3 $0xFFFFD800  }
0x46: {  	s30 =	sadd.s32 $0xA, s30;
	s29 =	sadd.s32 $0x500, s29;
	s20 =	sshrl.u32 @!p1 s20, $0x2  }
0x47: {  	[tilespmem:s20], [sflag:$0x1] =	stream.linear.gather @!p1 [hbm4b:s14+s16], $0x2800, $0x38;
	[tilespmem:$0x1B200] =	vst v63  }
0x48: {  	_ = 	snop  }
0x49: {  	[tilespmem:s19], [sflag:$0x2] =	stream.linear.gather @!p1 [hbm4b:s31+s16], $0x50, $0x38;
	[tilespmem:$0x1B200] =	vst v63  }
0x4a: {  	_ =	swait.ge [sflag:s24], $0x2800  }
0x4b: {  	[sflag:s24] =	ssyncset.done $0x0  }
0x4c: {  	[sflag:s24] =	ssyncadd.s32 $0xFFFFD800  }
0x4d: {  	_ =	swait.ge [sflag:s24], $0x2800  }
0x4e: {  	[sflag:s24] =	ssyncset.done $0x0  }
0x4f: {  	[sflag:s24] =	ssyncadd.s32 $0xFFFFD800  }
0x50: {  	_ =	swait.ge [sflag:s24], $0x2800  }
0x51: {  	[sflag:s24] =	ssyncset.done $0x0  }
0x52: {  	[sflag:s24] =	ssyncadd.s32 $0xFFFFD800  }
0x53: {  	[bflag:$0x0] =	sbarrier.arrive $0xFFFF  }
0x54: {  	[hbm:s11], [sflag:s6] =	dma.local [spmem:s17], $0x2700  }
0x55: {  	s25 =	sadd.s32 $0x1, s25;
	_ =	swait.ge [sflag:s18], $0x2700  }
0x56: {  	p1 =	sne.s32 s25, s13;
	[sflag:s18] =	ssyncset.done $0x0  }
.Ltmp1:
0x57: {  	s3 =	simm.s32 @!p0 $0x4;
	[sflag:s18] =	ssyncadd.s32 $0xFFFFD900;
	(pc) =	sbr.rel @p1 .LBB2_1-.Ltmp1, $4  }
0x58: {  	[hbm:s12], [sflag:s6] =	dma.local @!p0 [spmem:s26], $0x100  }
0x59: {  	_ =	swait.ge @!p0 [sflag:s3], $0x100  }
0x5a: {  	[sflag:s3] =	ssyncset.done @!p0 $0x0  }
0x5b: {  	[sflag:s3] =	ssyncadd.s32 @!p0 $0xFFFFFF00  }
0x5c: {  	_ =	sfence.sel $0x180000  }
0x5d: {  	[bflag:$0x0] =	sbarrier.arrive $0xFFFF  }
0x5e: {  	_ =	strace $0x90000047  }
0x5f: {  	[bflag:$0x2] =	sbarrier.arrive $0xFFFF  }
0x60: {  	s0 =	rddreg [dreg:$0x2]  }
0x61: {  	s0 =	sadd.s32 @!p0 $0x100000, s0  }
0x62: {  	[sflag:s0] =	ssyncadd.tile.s32 @!p0 $0x1;
	_ =	shalt  }
.Lfunc_end2:
_tile_overlayer_lowered:
.L_overlay_start_2:
0x63: {  	(tag) =	ssettag $0x2  }
0x64: {  	s0 =	rddreg [dreg:$0x0];
	s2 =	stileid.u32  }
0x65: {  	s1 =	rddreg [dreg:$0x1];
	p0 =	sne.s32 s2, $0x0  }
0x66: {  	s3 =	rddreg [dreg:$0x2];
	[bflag:$0x3] =	sbarrier.arrive $0xFFFF;
	s2 =	simm.s32 @!p0 $0x1C04  }
0x67: {  	[timem:s3], [sflag:s2] =	dma.local @!p0 [hbm:s0], s1  }
0x68: {  	s0 =	simm.s32 @!p0 $0x4  }
0x69: {  	_ =	swait.ge @!p0 [sflag:s0], s1  }
0x6a: {  	s1 =	ssub.s32 @!p0 $0x0, s1;
	[sflag:s0] =	ssyncset.done @!p0 $0x0  }
0x6b: {  	[sflag:s0] =	ssyncadd.s32 @!p0 s1  }
0x6c: {  	[bflag:$0x3] =	sbarrier.arrive $0xFFFF  }
0x6d: {  	_ =	shalt  }

</sc_bundles>
